<compile_context>
chip_gen: v7x
topology: tpu7x:2x2x1
jax: 0.10.2.dev20260603
libtpu: 0.0.44.dev20260713+nightly
codegen_flags: <defaults>
</compile_context>

<pallas_src>
import functools

import jax
import jax.numpy as jnp
from jax import lax
from jax.experimental import pallas as pl
from jax.experimental.pallas import tpu as pltpu
from jax.experimental.pallas import tpu_sc as plsc

BATCH = 1024
SEQ = 50
EMB = 16
NL = 16
TOT = BATCH * SEQ


def _crf_body(g_ref, tags_ref, w_ref, b_ref, trans_ref, transT_ref, out_ref):
    Wm = w_ref[...]
    bias = b_ref[...]
    trans = trans_ref[...]
    transT = transT_ref[...]
    Et = jnp.exp(transT)
    lab_iota = lax.broadcasted_iota(jnp.int32, (NL, BATCH), 0)
    tr_start = transT[:, 0:1]
    tr_end = trans[:, 1:2]

    def emit(t):
        e = g_ref[pl.ds(t * BATCH, BATCH), :]
        em = lax.dot_general(Wm, e, (((1,), (1,)), ((), ())),
                             preferred_element_type=jnp.float32,
                             precision=lax.Precision.DEFAULT)
        return em + bias

    def selmask(t):
        tg = tags_ref[pl.ds(t, 1), :]
        return (lab_iota == tg).astype(jnp.float32)

    em0 = emit(0)
    sel0 = selmask(0)
    alphas0 = tr_start + em0
    acc0 = sel0 * (em0 + tr_start)

    def step(t, carry):
        alphas, acc, selp = carry
        em = emit(t)
        sel = selmask(t)
        m = jnp.max(alphas, axis=0, keepdims=True)
        p = jnp.exp(alphas - m)
        s = lax.dot_general(Et, p, (((1,), (0,)), ((), ())),
                            preferred_element_type=jnp.float32,
                            precision=lax.Precision.DEFAULT)
        alphas = em + m + jnp.log(s)
        tsel = lax.dot_general(transT, selp, (((1,), (0,)), ((), ())),
                               preferred_element_type=jnp.float32,
                               precision=lax.Precision.HIGHEST)
        acc = acc + sel * (em + tsel)
        return alphas, acc, sel

    alphas, acc, sel_last = lax.fori_loop(1, SEQ, step, (alphas0, acc0, sel0))
    acc = acc + sel_last * tr_end
    end = alphas + tr_end
    m = jnp.max(end, axis=0, keepdims=True)
    part = m + jnp.log(jnp.sum(jnp.exp(end - m), axis=0, keepdims=True))
    out_ref[...] = (jnp.sum(part) - jnp.sum(acc)).reshape(1, 1)


def _sc_gather(table, idx):
    info = plsc.get_sparse_core_info()
    nc, ns = info.num_cores, info.num_subcores
    nw = nc * ns
    bpw = TOT // nw
    csz = 400
    nch = bpw // csz
    ngrp = csz // 16

    mesh = plsc.VectorSubcoreMesh(core_axis_name="c", subcore_axis_name="s")

    @functools.partial(
        pl.kernel,
        mesh=mesh,
        out_type=jax.ShapeDtypeStruct((TOT, EMB), jnp.float32),
        scratch_types=[
            pltpu.VMEM((bpw,), jnp.int32),
            pltpu.VMEM((csz, EMB), jnp.float32),
            pltpu.SemaphoreType.DMA,
            pltpu.SemaphoreType.DMA,
        ],
    )
    def gk(table_hbm, idx_hbm, out_hbm, idx_v, rows_v, sem_i, sem_g):
        wid = lax.axis_index("s") * nc + lax.axis_index("c")
        base = wid * bpw
        pltpu.async_copy(idx_hbm.at[pl.ds(base, bpw)], idx_v, sem_i).wait()

        def issue16(ch, v):
            vec = idx_v[pl.ds(ch * csz + v * 16, 16)]
            for j in range(16):
                pltpu.make_async_copy(
                    table_hbm.at[pl.ds(vec[j], 1), :],
                    rows_v.at[pl.ds(v * 16 + j, 1), :],
                    sem_g,
                ).start()

        def drain16(v):
            for j in range(16):
                pltpu.make_async_copy(
                    table_hbm.at[pl.ds(0, 1), :],
                    rows_v.at[pl.ds(v * 16 + j, 1), :],
                    sem_g,
                ).wait()

        def chunk(ch, _):
            issue16(ch, 0)

            def grp(v, _):
                issue16(ch, v)
                drain16(v - 1)
                return 0

            lax.fori_loop(1, ngrp, grp, 0)
            drain16(ngrp - 1)
            pltpu.async_copy(rows_v, out_hbm.at[pl.ds(base + ch * csz, csz)],
                             sem_i).wait()
            return 0

        lax.fori_loop(0, nch, chunk, 0)

    return gk(table, idx)


def kernel(x, tags, mask, embed_table, W, b, transitions):
    idx = jnp.transpose(x).reshape(-1)
    g = _sc_gather(embed_table, idx)
    out = pl.pallas_call(
        _crf_body,
        out_shape=jax.ShapeDtypeStruct((1, 1), jnp.float32),
    )(g, jnp.transpose(tags), W, b.reshape(NL, 1), transitions,
      jnp.transpose(transitions))
    return out[0, 0]

# --- scband reference (transcript-rebuilt; emitter-appended) ---
"""Pipeline reference for scband-embedding-crf-6554120093704 (READ-ONLY COPY).

The authoritative reference and input builder live on the scoring server;
editing this copy changes nothing except your own understanding.
"""

import jax, jax.numpy as jnp
import numpy as np

VOCAB = 1000000
EMBED_DIM = 16
NUM_LABELS = 16
START_TAG = 0
END_TAG = 1
PAD_TAG = 2
BATCH = 1024
SEQ_LEN = 50


def _init_transitions():
    rng = np.random.RandomState(0)
    trans = rng.uniform(-0.1, 0.1, size=(NUM_LABELS, NUM_LABELS)).astype(np.float32)
    trans[:, START_TAG] = -10000.0
    trans[END_TAG, :] = -10000.0
    trans[PAD_TAG, :] = -10000.0
    trans[:, PAD_TAG] = -10000.0
    trans[PAD_TAG, PAD_TAG] = 0.0
    trans[PAD_TAG, END_TAG] = 0.0
    return jnp.asarray(trans)


def setup_inputs(seed: int = 0) -> dict:
    key = jax.random.key(seed)
    k1, k2, k3, k4, k5 = jax.random.split(key, 5)
    x = jax.random.randint(k1, (BATCH, SEQ_LEN), 0, VOCAB, dtype=jnp.int64 if jax.config.jax_enable_x64 else jnp.int32).astype(jnp.int32)
    tags = jax.random.randint(k2, (BATCH, SEQ_LEN), 0, NUM_LABELS, dtype=jnp.int32)
    mask = jnp.ones((BATCH, SEQ_LEN), dtype=jnp.float32)
    embed_table = jax.random.normal(k3, (VOCAB, EMBED_DIM), dtype=jnp.float32)
    lim = 1.0 / np.sqrt(EMBED_DIM)
    W = jax.random.uniform(k4, (NUM_LABELS, EMBED_DIM), minval=-lim, maxval=lim, dtype=jnp.float32)
    b = jax.random.uniform(k5, (NUM_LABELS,), minval=-lim, maxval=lim, dtype=jnp.float32)
    transitions = _init_transitions()
    return {"x": x, "tags": tags, "mask": mask, "embed_table": embed_table, "W": W, "b": b, "transitions": transitions}


def _compute_scores(emissions, tags, mask, transitions):
    batch_size, seq_len = tags.shape
    first_tags = tags[:, 0]
    last_valid_idx = mask.astype(jnp.int32).sum(1) - 1
    last_tags = jnp.take_along_axis(tags, last_valid_idx[:, None], axis=1).squeeze(1)
    t_scores = transitions[START_TAG, first_tags]
    e_scores = jnp.take_along_axis(emissions[:, 0], first_tags[:, None], axis=1).squeeze(1)
    scores = e_scores + t_scores
    for i in range(1, seq_len):
        is_valid = mask[:, i]
        previous_tags = tags[:, i - 1]
        current_tags = tags[:, i]
        e_scores = jnp.take_along_axis(emissions[:, i], current_tags[:, None], axis=1).squeeze(1)
        t_scores = transitions[previous_tags, current_tags]
        scores = scores + e_scores * is_valid + t_scores * is_valid
    scores = scores + transitions[last_tags, END_TAG]
    return scores


def _compute_log_partition(emissions, mask, transitions):
    batch_size, seq_length, nb_labels = emissions.shape
    alphas = transitions[START_TAG, :][None, :] + emissions[:, 0]
    for i in range(1, seq_length):
        # scores[b, prev, tag] = emissions[b, i, tag] + transitions[prev, tag] + alphas[b, prev]
        scores = emissions[:, i][:, None, :] + transitions[None, :, :] + alphas[:, :, None]
        new_alphas = jax.scipy.special.logsumexp(scores, axis=1)
        is_valid = mask[:, i][:, None]
        alphas = is_valid * new_alphas + (1.0 - is_valid) * alphas
    end_scores = alphas + transitions[:, END_TAG][None, :]
    return jax.scipy.special.logsumexp(end_scores, axis=1)


def reference(x, tags, mask, embed_table, W, b, transitions):
    # Embedding lookup (SparseCore gather)
    embed_output = jnp.take(embed_table, x, axis=0)
    emissions = embed_output @ W.T + b
    # NOTE: original forward passes mask=None to log_likelihoods, so an all-ones
    # mask is constructed internally regardless of the provided mask arg.
    eff_mask = jnp.ones(emissions.shape[:2], dtype=jnp.float32)
    scores = _compute_scores(emissions, tags, eff_mask, transitions)
    partition = _compute_log_partition(emissions, eff_mask, transitions)
    nll = -1.0 * jnp.sum(scores - partition)
    return nll

if __name__ == "__main__":
    import jax
    _d = setup_inputs()
    print(jax.jit(kernel)(*tuple(_d.values())))

</pallas_src>

<mosaic_0001>
#map = affine_map<(d0, d1) -> (0, 0)>
#map1 = affine_map<(d0, d1) -> (0)>
module attributes {stable_mosaic.version = 14 : i64} {
  func.func @gk(%arg0: i32, %arg1: i32, %arg2: memref<1000000x16xf32, #tpu.memory_space<hbm>>, %arg3: memref<51200xi32, #tpu.memory_space<hbm>>, %arg4: memref<51200x16xf32, #tpu.memory_space<hbm>>, %arg5: memref<1600xi32, #tpu.memory_space<vmem>>, %arg6: memref<400x16xf32, #tpu.memory_space<vmem>>, %arg7: memref<!tpu.dma_semaphore, #tpu.memory_space<semaphore_mem>>, %arg8: memref<!tpu.dma_semaphore, #tpu.memory_space<semaphore_mem>>) attributes {dimension_semantics = [#tpu.dimension_semantics<core_parallel>, #tpu.dimension_semantics<subcore_parallel>], iteration_bounds = array<i64: 2, 16>, scalar_prefetch = 0 : i64, scratch_operands = 4 : i64, tpu.core_type = #tpu.core_type<sc_vector_subcore>, window_params = [{transform_indices = #map}, {transform_indices = #map1}, {transform_indices = #map}]} {
    %mul3A = arith.constant 2 : i32
    %mul3A_0 = arith.muli %arg1, %mul3A : i32
    %add3A = arith.addi %mul3A_0, %arg0 : i32
    %mul3A_1 = arith.constant 1600 : i32
    %mul3A_2 = arith.muli %add3A, %mul3A_1 : i32
    %dma_start3A = tpu.memref_slice %arg3[%mul3A_2] : memref<51200xi32, #tpu.memory_space<hbm>> -> memref<1600xi32, #tpu.memory_space<hbm>>
    %dma_start3A_3 = tpu.memref_slice %arg3[%mul3A_2] : memref<51200xi32, #tpu.memory_space<hbm>> -> memref<1600xi32, #tpu.memory_space<hbm>>
    tpu.enqueue_dma source(%dma_start3A_3 : memref<1600xi32, #tpu.memory_space<hbm>>) target(%arg5 : memref<1600xi32, #tpu.memory_space<vmem>>) target_semaphore(%arg7 : memref<!tpu.dma_semaphore, #tpu.memory_space<semaphore_mem>>)
    %dma_wait3A = tpu.memref_slice %arg3[%mul3A_2] : memref<51200xi32, #tpu.memory_space<hbm>> -> memref<1600xi32, #tpu.memory_space<hbm>>
    %dma_wait3A_4 = tpu.memref_slice %arg3[%mul3A_2] : memref<51200xi32, #tpu.memory_space<hbm>> -> memref<1600xi32, #tpu.memory_space<hbm>>
    tpu.wait_dma2 semaphore(%arg7 : memref<!tpu.dma_semaphore, #tpu.memory_space<semaphore_mem>>) src(%dma_wait3A_4 : memref<1600xi32, #tpu.memory_space<hbm>>) dst(%arg5 : memref<1600xi32, #tpu.memory_space<vmem>>)
    %scan3A = arith.constant 0 : i32
    %scan3A_5 = arith.constant 0 : i32
    %scan3A_6 = arith.constant 4 : i32
    %scan3A_7 = arith.addi %scan3A_5, %scan3A_6 : i32
    %scan3A_8 = arith.constant 1 : i32
    %scan3A_9 = scf.for %scan3A_11 = %scan3A_5 to %scan3A_7 step %scan3A_8 iter_args(%scan3A_12 = %scan3A) -> (i32)  : i32 {
      %mul3A_13 = arith.constant 400 : i32
      %mul3A_14 = arith.muli %scan3A_11, %mul3A_13 : i32
      %add3A_15 = arith.constant 0 : i32
      %add3A_16 = arith.addi %mul3A_14, %add3A_15 : i32
      %get3A = arith.index_cast %add3A_16 : i32 to index
      %get3A_17 = tpu.vector_load %arg5[%get3A] {strides = array<i32>} : memref<1600xi32, #tpu.memory_space<vmem>>, vector<16xi32>,
      %get3A_18 = vector.shape_cast %get3A_17 : vector<16xi32> to vector<16xi32>
      %slice3A = vector.extract_strided_slice %get3A_18 {offsets = [0], sizes = [1], strides = [1]} : vector<16xi32> to vector<1xi32>
      %squeeze3A = vector.extract %slice3A[0] : i32 from vector<1xi32>
      %dma_start3A_19 = arith.constant 0 : i32
      %dma_start3A_20 = arith.constant 0 : i32
      %dma_start3A_21 = tpu.memref_slice %arg6[%dma_start3A_19, %dma_start3A_20] : memref<400x16xf32, #tpu.memory_space<vmem>> -> memref<1x16xf32, #tpu.memory_space<vmem>>
      %dma_start3A_22 = arith.constant 0 : i32
      %dma_start3A_23 = tpu.memref_slice %arg2[%squeeze3A, %dma_start3A_22] : memref<1000000x16xf32, #tpu.memory_space<hbm>> -> memref<1x16xf32, #tpu.memory_space<hbm>>
      %dma_start3A_24 = arith.constant 0 : i32
      %dma_start3A_25 = arith.constant 0 : i32
      %dma_start3A_26 = tpu.memref_slice %arg6[%dma_start3A_24, %dma_start3A_25] : memref<400x16xf32, #tpu.memory_space<vmem>> -> memref<1x16xf32, #tpu.memory_space<vmem>>
      %dma_start3A_27 = arith.constant 0 : i32
      %dma_start3A_28 = tpu.memref_slice %arg2[%squeeze3A, %dma_start3A_27] : memref<1000000x16xf32, #tpu.memory_space<hbm>> -> memref<1x16xf32, #tpu.memory_space<hbm>>
      tpu.enqueue_dma source(%dma_start3A_28 : memref<1x16xf32, #tpu.memory_space<hbm>>) target(%dma_start3A_26 : memref<1x16xf32, #tpu.memory_space<vmem>>) target_semaphore(%arg8 : memref<!tpu.dma_semaphore, #tpu.memory_space<semaphore_mem>>)
      %slice3A_29 = vector.extract_strided_slice %get3A_18 {offsets = [1], sizes = [1], strides = [1]} : vector<16xi32> to vector<1xi32>
      %squeeze3A_30 = vector.extract %slice3A_29[0] : i32 from vector<1xi32>
      %dma_start3A_31 = arith.constant 1 : i32
      %dma_start3A_32 = arith.constant 0 : i32
      %dma_start3A_33 = tpu.memref_slice %arg6[%dma_start3A_31, %dma_start3A_32] : memref<400x16xf32, #tpu.memory_space<vmem>> -> memref<1x16xf32, #tpu.memory_space<vmem>>
      %dma_start3A_34 = arith.constant 0 : i32
      %dma_start3A_35 = tpu.memref_slice %arg2[%squeeze3A_30, %dma_start3A_34] : memref<1000000x16xf32, #tpu.memory_space<hbm>> -> memref<1x16xf32, #tpu.memory_space<hbm>>
      %dma_start3A_36 = arith.constant 1 : i32
      %dma_start3A_37 = arith.constant 0 : i32
      %dma_start3A_38 = tpu.memref_slice %arg6[%dma_start3A_36, %dma_start3A_37] : memref<400x16xf32, #tpu.memory_space<vmem>> -> memref<1x16xf32, #tpu.memory_space<vmem>>
      %dma_start3A_39 = arith.constant 0 : i32
      %dma_start3A_40 = tpu.memref_slice %arg2[%squeeze3A_30, %dma_start3A_39] : memref<1000000x16xf32, #tpu.memory_space<hbm>> -> memref<1x16xf32, #tpu.memory_space<hbm>>
      tpu.enqueue_dma source(%dma_start3A_40 : memref<1x16xf32, #tpu.memory_space<hbm>>) target(%dma_start3A_38 : memref<1x16xf32, #tpu.memory_space<vmem>>) target_semaphore(%arg8 : memref<!tpu.dma_semaphore, #tpu.memory_space<semaphore_mem>>)
      %slice3A_41 = vector.extract_strided_slice %get3A_18 {offsets = [2], sizes = [1], strides = [1]} : vector<16xi32> to vector<1xi32>
      %squeeze3A_42 = vector.extract %slice3A_41[0] : i32 from vector<1xi32>
      %dma_start3A_43 = arith.constant 2 : i32
      %dma_start3A_44 = arith.constant 0 : i32
      %dma_start3A_45 = tpu.memref_slice %arg6[%dma_start3A_43, %dma_start3A_44] : memref<400x16xf32, #tpu.memory_space<vmem>> -> memref<1x16xf32, #tpu.memory_space<vmem>>
      %dma_start3A_46 = arith.constant 0 : i32
      %dma_start3A_47 = tpu.memref_slice %arg2[%squeeze3A_42, %dma_start3A_46] : memref<1000000x16xf32, #tpu.memory_space<hbm>> -> memref<1x16xf32, #tpu.memory_space<hbm>>
      %dma_start3A_48 = arith.constant 2 : i32
      %dma_start3A_49 = arith.constant 0 : i32
      %dma_start3A_50 = tpu.memref_slice %arg6[%dma_start3A_48, %dma_start3A_49] : memref<400x16xf32, #tpu.memory_space<vmem>> -> memref<1x16xf32, #tpu.memory_space<vmem>>
      %dma_start3A_51 = arith.constant 0 : i32
      %dma_start3A_52 = tpu.memref_slice %arg2[%squeeze3A_42, %dma_start3A_51] : memref<1000000x16xf32, #tpu.memory_space<hbm>> -> memref<1x16xf32, #tpu.memory_space<hbm>>
      tpu.enqueue_dma source(%dma_start3A_52 : memref<1x16xf32, #tpu.memory_space<hbm>>) target(%dma_start3A_50 : memref<1x16xf32, #tpu.memory_space<vmem>>) target_semaphore(%arg8 : memref<!tpu.dma_semaphore, #tpu.memory_space<semaphore_mem>>)
      %slice3A_53 = vector.extract_strided_slice %get3A_18 {offsets = [3], sizes = [1], strides = [1]} : vector<16xi32> to vector<1xi32>
      %squeeze3A_54 = vector.extract %slice3A_53[0] : i32 from vector<1xi32>
      %dma_start3A_55 = arith.constant 3 : i32
      %dma_start3A_56 = arith.constant 0 : i32
      %dma_start3A_57 = tpu.memref_slice %arg6[%dma_start3A_55, %dma_start3A_56] : memref<400x16xf32, #tpu.memory_space<vmem>> -> memref<1x16xf32, #tpu.memory_space<vmem>>
      %dma_start3A_58 = arith.constant 0 : i32
      %dma_start3A_59 = tpu.memref_slice %arg2[%squeeze3A_54, %dma_start3A_58] : memref<1000000x16xf32, #tpu.memory_space<hbm>> -> memref<1x16xf32, #tpu.memory_space<hbm>>
      %dma_start3A_60 = arith.constant 3 : i32
      %dma_start3A_61 = arith.constant 0 : i32
      %dma_start3A_62 = tpu.memref_slice %arg6[%dma_start3A_60, %dma_start3A_61] : memref<400x16xf32, #tpu.memory_space<vmem>> -> memref<1x16xf32, #tpu.memory_space<vmem>>
      %dma_start3A_63 = arith.constant 0 : i32
      %dma_start3A_64 = tpu.memref_slice %arg2[%squeeze3A_54, %dma_start3A_63] : memref<1000000x16xf32, #tpu.memory_space<hbm>> -> memref<1x16xf32, #tpu.memory_space<hbm>>
      tpu.enqueue_dma source(%dma_start3A_64 : memref<1x16xf32, #tpu.memory_space<hbm>>) target(%dma_start3A_62 : memref<1x16xf32, #tpu.memory_space<vmem>>) target_semaphore(%arg8 : memref<!tpu.dma_semaphore, #tpu.memory_space<semaphore_mem>>)
      %slice3A_65 = vector.extract_strided_slice %get3A_18 {offsets = [4], sizes = [1], strides = [1]} : vector<16xi32> to vector<1xi32>
      %squeeze3A_66 = vector.extract %slice3A_65[0] : i32 from vector<1xi32>
      %dma_start3A_67 = arith.constant 4 : i32
      %dma_start3A_68 = arith.constant 0 : i32
      %dma_start3A_69 = tpu.memref_slice %arg6[%dma_start3A_67, %dma_start3A_68] : memref<400x16xf32, #tpu.memory_space<vmem>> -> memref<1x16xf32, #tpu.memory_space<vmem>>
      %dma_start3A_70 = arith.constant 0 : i32
      %dma_start3A_71 = tpu.memref_slice %arg2[%squeeze3A_66, %dma_start3A_70] : memref<1000000x16xf32, #tpu.memory_space<hbm>> -> memref<1x16xf32, #tpu.memory_space<hbm>>
      %dma_start3A_72 = arith.constant 4 : i32
      %dma_start3A_73 = arith.constant 0 : i32
      %dma_start3A_74 = tpu.memref_slice %arg6[%dma_start3A_72, %dma_start3A_73] : memref<400x16xf32, #tpu.memory_space<vmem>> -> memref<1x16xf32, #tpu.memory_space<vmem>>
      %dma_start3A_75 = arith.constant 0 : i32
      %dma_start3A_76 = tpu.memref_slice %arg2[%squeeze3A_66, %dma_start3A_75] : memref<1000000x16xf32, #tpu.memory_space<hbm>> -> memref<1x16xf32, #tpu.memory_space<hbm>>
      tpu.enqueue_dma source(%dma_start3A_76 : memref<1x16xf32, #tpu.memory_space<hbm>>) target(%dma_start3A_74 : memref<1x16xf32, #tpu.memory_space<vmem>>) target_semaphore(%arg8 : memref<!tpu.dma_semaphore, #tpu.memory_space<semaphore_mem>>)
      %slice3A_77 = vector.extract_strided_slice %get3A_18 {offsets = [5], sizes = [1], strides = [1]} : vector<16xi32> to vector<1xi32>
      %squeeze3A_78 = vector.extract %slice3A_77[0] : i32 from vector<1xi32>
      %dma_start3A_79 = arith.constant 5 : i32
      %dma_start3A_80 = arith.constant 0 : i32
      %dma_start3A_81 = tpu.memref_slice %arg6[%dma_start3A_79, %dma_start3A_80] : memref<400x16xf32, #tpu.memory_space<vmem>> -> memref<1x16xf32, #tpu.memory_space<vmem>>
      %dma_start3A_82 = arith.constant 0 : i32
      %dma_start3A_83 = tpu.memref_slice %arg2[%squeeze3A_78, %dma_start3A_82] : memref<1000000x16xf32, #tpu.memory_space<hbm>> -> memref<1x16xf32, #tpu.memory_space<hbm>>
      %dma_start3A_84 = arith.constant 5 : i32
      %dma_start3A_85 = arith.constant 0 : i32
      %dma_start3A_86 = tpu.memref_slice %arg6[%dma_start3A_84, %dma_start3A_85] : memref<400x16xf32, #tpu.memory_space<vmem>> -> memref<1x16xf32, #tpu.memory_space<vmem>>
      %dma_start3A_87 = arith.constant 0 : i32
      %dma_start3A_88 = tpu.memref_slice %arg2[%squeeze3A_78, %dma_start3A_87] : memref<1000000x16xf32, #tpu.memory_space<hbm>> -> memref<1x16xf32, #tpu.memory_space<hbm>>
      tpu.enqueue_dma source(%dma_start3A_88 : memref<1x16xf32, #tpu.memory_space<hbm>>) target(%dma_start3A_86 : memref<1x16xf32, #tpu.memory_space<vmem>>) target_semaphore(%arg8 : memref<!tpu.dma_semaphore, #tpu.memory_space<semaphore_mem>>)
      %slice3A_89 = vector.extract_strided_slice %get3A_18 {offsets = [6], sizes = [1], strides = [1]} : vector<16xi32> to vector<1xi32>
      %squeeze3A_90 = vector.extract %slice3A_89[0] : i32 from vector<1xi32>
      %dma_start3A_91 = arith.constant 6 : i32
      %dma_start3A_92 = arith.constant 0 : i32
      %dma_start3A_93 = tpu.memref_slice %arg6[%dma_start3A_91, %dma_start3A_92] : memref<400x16xf32, #tpu.memory_space<vmem>> -> memref<1x16xf32, #tpu.memory_space<vmem>>
      %dma_start3A_94 = arith.constant 0 : i32
      %dma_start3A_95 = tpu.memref_slice %arg2[%squeeze3A_90, %dma_start3A_94] : memref<1000000x16xf32, #tpu.memory_space<hbm>> -> memref<1x16xf32, #tpu.memory_space<hbm>>
      %dma_start3A_96 = arith.constant 6 : i32
      %dma_start3A_97 = arith.constant 0 : i32
      %dma_start3A_98 = tpu.memref_slice %arg6[%dma_start3A_96, %dma_start3A_97] : memref<400x16xf32, #tpu.memory_space<vmem>> -> memref<1x16xf32, #tpu.memory_space<vmem>>
      %dma_start3A_99 = arith.constant 0 : i32
      %dma_start3A_100 = tpu.memref_slice %arg2[%squeeze3A_90, %dma_start3A_99] : memref<1000000x16xf32, #tpu.memory_space<hbm>> -> memref<1x16xf32, #tpu.memory_space<hbm>>
      tpu.enqueue_dma source(%dma_start3A_100 : memref<1x16xf32, #tpu.memory_space<hbm>>) target(%dma_start3A_98 : memref<1x16xf32, #tpu.memory_space<vmem>>) target_semaphore(%arg8 : memref<!tpu.dma_semaphore, #tpu.memory_space<semaphore_mem>>)
      %slice3A_101 = vector.extract_strided_slice %get3A_18 {offsets = [7], sizes = [1], strides = [1]} : vector<16xi32> to vector<1xi32>
      %squeeze3A_102 = vector.extract %slice3A_101[0] : i32 from vector<1xi32>
      %dma_start3A_103 = arith.constant 7 : i32
      %dma_start3A_104 = arith.constant 0 : i32
      %dma_start3A_105 = tpu.memref_slice %arg6[%dma_start3A_103, %dma_start3A_104] : memref<400x16xf32, #tpu.memory_space<vmem>> -> memref<1x16xf32, #tpu.memory_space<vmem>>
      %dma_start3A_106 = arith.constant 0 : i32
      %dma_start3A_107 = tpu.memref_slice %arg2[%squeeze3A_102, %dma_start3A_106] : memref<1000000x16xf32, #tpu.memory_space<hbm>> -> memref<1x16xf32, #tpu.memory_space<hbm>>
      %dma_start3A_108 = arith.constant 7 : i32
      %dma_start3A_109 = arith.constant 0 : i32
      %dma_start3A_110 = tpu.memref_slice %arg6[%dma_start3A_108, %dma_start3A_109] : memref<400x16xf32, #tpu.memory_space<vmem>> -> memref<1x16xf32, #tpu.memory_space<vmem>>
      %dma_start3A_111 = arith.constant 0 : i32
      %dma_start3A_112 = tpu.memref_slice %arg2[%squeeze3A_102, %dma_start3A_111] : memref<1000000x16xf32, #tpu.memory_space<hbm>> -> memref<1x16xf32, #tpu.memory_space<hbm>>
      tpu.enqueue_dma source(%dma_start3A_112 : memref<1x16xf32, #tpu.memory_space<hbm>>) target(%dma_start3A_110 : memref<1x16xf32, #tpu.memory_space<vmem>>) target_semaphore(%arg8 : memref<!tpu.dma_semaphore, #tpu.memory_space<semaphore_mem>>)
      %slice3A_113 = vector.extract_strided_slice %get3A_18 {offsets = [8], sizes = [1], strides = [1]} : vector<16xi32> to vector<1xi32>
      %squeeze3A_114 = vector.extract %slice3A_113[0] : i32 from vector<1xi32>
      %dma_start3A_115 = arith.constant 8 : i32
      %dma_start3A_116 = arith.constant 0 : i32
      %dma_start3A_117 = tpu.memref_slice %arg6[%dma_start3A_115, %dma_start3A_116] : memref<400x16xf32, #tpu.memory_space<vmem>> -> memref<1x16xf32, #tpu.memory_space<vmem>>
      %dma_start3A_118 = arith.constant 0 : i32
      %dma_start3A_119 = tpu.memref_slice %arg2[%squeeze3A_114, %dma_start3A_118] : memref<1000000x16xf32, #tpu.memory_space<hbm>> -> memref<1x16xf32, #tpu.memory_space<hbm>>
      %dma_start3A_120 = arith.constant 8 : i32
      %dma_start3A_121 = arith.constant 0 : i32
      %dma_start3A_122 = tpu.memref_slice %arg6[%dma_start3A_120, %dma_start3A_121] : memref<400x16xf32, #tpu.memory_space<vmem>> -> memref<1x16xf32, #tpu.memory_space<vmem>>
      %dma_start3A_123 = arith.constant 0 : i32
      %dma_start3A_124 = tpu.memref_slice %arg2[%squeeze3A_114, %dma_start3A_123] : memref<1000000x16xf32, #tpu.memory_space<hbm>> -> memref<1x16xf32, #tpu.memory_space<hbm>>
      tpu.enqueue_dma source(%dma_start3A_124 : memref<1x16xf32, #tpu.memory_space<hbm>>) target(%dma_start3A_122 : memref<1x16xf32, #tpu.memory_space<vmem>>) target_semaphore(%arg8 : memref<!tpu.dma_semaphore, #tpu.memory_space<semaphore_mem>>)
      %slice3A_125 = vector.extract_strided_slice %get3A_18 {offsets = [9], sizes = [1], strides = [1]} : vector<16xi32> to vector<1xi32>
      %squeeze3A_126 = vector.extract %slice3A_125[0] : i32 from vector<1xi32>
      %dma_start3A_127 = arith.constant 9 : i32
      %dma_start3A_128 = arith.constant 0 : i32
      %dma_start3A_129 = tpu.memref_slice %arg6[%dma_start3A_127, %dma_start3A_128] : memref<400x16xf32, #tpu.memory_space<vmem>> -> memref<1x16xf32, #tpu.memory_space<vmem>>
      %dma_start3A_130 = arith.constant 0 : i32
      %dma_start3A_131 = tpu.memref_slice %arg2[%squeeze3A_126, %dma_start3A_130] : memref<1000000x16xf32, #tpu.memory_space<hbm>> -> memref<1x16xf32, #tpu.memory_space<hbm>>
      %dma_start3A_132 = arith.constant 9 : i32
      %dma_start3A_133 = arith.constant 0 : i32
      %dma_start3A_134 = tpu.memref_slice %arg6[%dma_start3A_132, %dma_start3A_133] : memref<400x16xf32, #tpu.memory_space<vmem>> -> memref<1x16xf32, #tpu.memory_space<vmem>>
      %dma_start3A_135 = arith.constant 0 : i32
      %dma_start3A_136 = tpu.memref_slice %arg2[%squeeze3A_126, %dma_start3A_135] : memref<1000000x16xf32, #tpu.memory_space<hbm>> -> memref<1x16xf32, #tpu.memory_space<hbm>>
      tpu.enqueue_dma source(%dma_start3A_136 : memref<1x16xf32, #tpu.memory_space<hbm>>) target(%dma_start3A_134 : memref<1x16xf32, #tpu.memory_space<vmem>>) target_semaphore(%arg8 : memref<!tpu.dma_semaphore, #tpu.memory_space<semaphore_mem>>)
      %slice3A_137 = vector.extract_strided_slice %get3A_18 {offsets = [10], sizes = [1], strides = [1]} : vector<16xi32> to vector<1xi32>
      %squeeze3A_138 = vector.extract %slice3A_137[0] : i32 from vector<1xi32>
      %dma_start3A_139 = arith.constant 10 : i32
      %dma_start3A_140 = arith.constant 0 : i32
      %dma_start3A_141 = tpu.memref_slice %arg6[%dma_start3A_139, %dma_start3A_140] : memref<400x16xf32, #tpu.memory_space<vmem>> -> memref<1x16xf32, #tpu.memory_space<vmem>>
      %dma_start3A_142 = arith.constant 0 : i32
      %dma_start3A_143 = tpu.memref_slice %arg2[%squeeze3A_138, %dma_start3A_142] : memref<1000000x16xf32, #tpu.memory_space<hbm>> -> memref<1x16xf32, #tpu.memory_space<hbm>>
      %dma_start3A_144 = arith.constant 10 : i32
      %dma_start3A_145 = arith.constant 0 : i32
      %dma_start3A_146 = tpu.memref_slice %arg6[%dma_start3A_144, %dma_start3A_145] : memref<400x16xf32, #tpu.memory_space<vmem>> -> memref<1x16xf32, #tpu.memory_space<vmem>>
      %dma_start3A_147 = arith.constant 0 : i32
      %dma_start3A_148 = tpu.memref_slice %arg2[%squeeze3A_138, %dma_start3A_147] : memref<1000000x16xf32, #tpu.memory_space<hbm>> -> memref<1x16xf32, #tpu.memory_space<hbm>>
      tpu.enqueue_dma source(%dma_start3A_148 : memref<1x16xf32, #tpu.memory_space<hbm>>) target(%dma_start3A_146 : memref<1x16xf32, #tpu.memory_space<vmem>>) target_semaphore(%arg8 : memref<!tpu.dma_semaphore, #tpu.memory_space<semaphore_mem>>)
      %slice3A_149 = vector.extract_strided_slice %get3A_18 {offsets = [11], sizes = [1], strides = [1]} : vector<16xi32> to vector<1xi32>
      %squeeze3A_150 = vector.extract %slice3A_149[0] : i32 from vector<1xi32>
      %dma_start3A_151 = arith.constant 11 : i32
      %dma_start3A_152 = arith.constant 0 : i32
      %dma_start3A_153 = tpu.memref_slice %arg6[%dma_start3A_151, %dma_start3A_152] : memref<400x16xf32, #tpu.memory_space<vmem>> -> memref<1x16xf32, #tpu.memory_space<vmem>>
      %dma_start3A_154 = arith.constant 0 : i32
      %dma_start3A_155 = tpu.memref_slice %arg2[%squeeze3A_150, %dma_start3A_154] : memref<1000000x16xf32, #tpu.memory_space<hbm>> -> memref<1x16xf32, #tpu.memory_space<hbm>>
      %dma_start3A_156 = arith.constant 11 : i32
      %dma_start3A_157 = arith.constant 0 : i32
      %dma_start3A_158 = tpu.memref_slice %arg6[%dma_start3A_156, %dma_start3A_157] : memref<400x16xf32, #tpu.memory_space<vmem>> -> memref<1x16xf32, #tpu.memory_space<vmem>>
      %dma_start3A_159 = arith.constant 0 : i32
      %dma_start3A_160 = tpu.memref_slice %arg2[%squeeze3A_150, %dma_start3A_159] : memref<1000000x16xf32, #tpu.memory_space<hbm>> -> memref<1x16xf32, #tpu.memory_space<hbm>>
      tpu.enqueue_dma source(%dma_start3A_160 : memref<1x16xf32, #tpu.memory_space<hbm>>) target(%dma_start3A_158 : memref<1x16xf32, #tpu.memory_space<vmem>>) target_semaphore(%arg8 : memref<!tpu.dma_semaphore, #tpu.memory_space<semaphore_mem>>)
      %slice3A_161 = vector.extract_strided_slice %get3A_18 {offsets = [12], sizes = [1], strides = [1]} : vector<16xi32> to vector<1xi32>
      %squeeze3A_162 = vector.extract %slice3A_161[0] : i32 from vector<1xi32>
      %dma_start3A_163 = arith.constant 12 : i32
      %dma_start3A_164 = arith.constant 0 : i32
      %dma_start3A_165 = tpu.memref_slice %arg6[%dma_start3A_163, %dma_start3A_164] : memref<400x16xf32, #tpu.memory_space<vmem>> -> memref<1x16xf32, #tpu.memory_space<vmem>>
      %dma_start3A_166 = arith.constant 0 : i32
      %dma_start3A_167 = tpu.memref_slice %arg2[%squeeze3A_162, %dma_start3A_166] : memref<1000000x16xf32, #tpu.memory_space<hbm>> -> memref<1x16xf32, #tpu.memory_space<hbm>>
      %dma_start3A_168 = arith.constant 12 : i32
      %dma_start3A_169 = arith.constant 0 : i32
      %dma_start3A_170 = tpu.memref_slice %arg6[%dma_start3A_168, %dma_start3A_169] : memref<400x16xf32, #tpu.memory_space<vmem>> -> memref<1x16xf32, #tpu.memory_space<vmem>>
      %dma_start3A_171 = arith.constant 0 : i32
      %dma_start3A_172 = tpu.memref_slice %arg2[%squeeze3A_162, %dma_start3A_171] : memref<1000000x16xf32, #tpu.memory_space<hbm>> -> memref<1x16xf32, #tpu.memory_space<hbm>>
      tpu.enqueue_dma source(%dma_start3A_172 : memref<1x16xf32, #tpu.memory_space<hbm>>) target(%dma_start3A_170 : memref<1x16xf32, #tpu.memory_space<vmem>>) target_semaphore(%arg8 : memref<!tpu.dma_semaphore, #tpu.memory_space<semaphore_mem>>)
      %slice3A_173 = vector.extract_strided_slice %get3A_18 {offsets = [13], sizes = [1], strides = [1]} : vector<16xi32> to vector<1xi32>
      %squeeze3A_174 = vector.extract %slice3A_173[0] : i32 from vector<1xi32>
      %dma_start3A_175 = arith.constant 13 : i32
      %dma_start3A_176 = arith.constant 0 : i32
      %dma_start3A_177 = tpu.memref_slice %arg6[%dma_start3A_175, %dma_start3A_176] : memref<400x16xf32, #tpu.memory_space<vmem>> -> memref<1x16xf32, #tpu.memory_space<vmem>>
      %dma_start3A_178 = arith.constant 0 : i32
      %dma_start3A_179 = tpu.memref_slice %arg2[%squeeze3A_174, %dma_start3A_178] : memref<1000000x16xf32, #tpu.memory_space<hbm>> -> memref<1x16xf32, #tpu.memory_space<hbm>>
      %dma_start3A_180 = arith.constant 13 : i32
      %dma_start3A_181 = arith.constant 0 : i32
      %dma_start3A_182 = tpu.memref_slice %arg6[%dma_start3A_180, %dma_start3A_181] : memref<400x16xf32, #tpu.memory_space<vmem>> -> memref<1x16xf32, #tpu.memory_space<vmem>>
      %dma_start3A_183 = arith.constant 0 : i32
      %dma_start3A_184 = tpu.memref_slice %arg2[%squeeze3A_174, %dma_start3A_183] : memref<1000000x16xf32, #tpu.memory_space<hbm>> -> memref<1x16xf32, #tpu.memory_space<hbm>>
      tpu.enqueue_dma source(%dma_start3A_184 : memref<1x16xf32, #tpu.memory_space<hbm>>) target(%dma_start3A_182 : memref<1x16xf32, #tpu.memory_space<vmem>>) target_semaphore(%arg8 : memref<!tpu.dma_semaphore, #tpu.memory_space<semaphore_mem>>)
      %slice3A_185 = vector.extract_strided_slice %get3A_18 {offsets = [14], sizes = [1], strides = [1]} : vector<16xi32> to vector<1xi32>
      %squeeze3A_186 = vector.extract %slice3A_185[0] : i32 from vector<1xi32>
      %dma_start3A_187 = arith.constant 14 : i32
      %dma_start3A_188 = arith.constant 0 : i32
      %dma_start3A_189 = tpu.memref_slice %arg6[%dma_start3A_187, %dma_start3A_188] : memref<400x16xf32, #tpu.memory_space<vmem>> -> memref<1x16xf32, #tpu.memory_space<vmem>>
      %dma_start3A_190 = arith.constant 0 : i32
      %dma_start3A_191 = tpu.memref_slice %arg2[%squeeze3A_186, %dma_start3A_190] : memref<1000000x16xf32, #tpu.memory_space<hbm>> -> memref<1x16xf32, #tpu.memory_space<hbm>>
      %dma_start3A_192 = arith.constant 14 : i32
      %dma_start3A_193 = arith.constant 0 : i32
      %dma_start3A_194 = tpu.memref_slice %arg6[%dma_start3A_192, %dma_start3A_193] : memref<400x16xf32, #tpu.memory_space<vmem>> -> memref<1x16xf32, #tpu.memory_space<vmem>>
      %dma_start3A_195 = arith.constant 0 : i32
      %dma_start3A_196 = tpu.memref_slice %arg2[%squeeze3A_186, %dma_start3A_195] : memref<1000000x16xf32, #tpu.memory_space<hbm>> -> memref<1x16xf32, #tpu.memory_space<hbm>>
      tpu.enqueue_dma source(%dma_start3A_196 : memref<1x16xf32, #tpu.memory_space<hbm>>) target(%dma_start3A_194 : memref<1x16xf32, #tpu.memory_space<vmem>>) target_semaphore(%arg8 : memref<!tpu.dma_semaphore, #tpu.memory_space<semaphore_mem>>)
      %slice3A_197 = vector.extract_strided_slice %get3A_18 {offsets = [15], sizes = [1], strides = [1]} : vector<16xi32> to vector<1xi32>
      %squeeze3A_198 = vector.extract %slice3A_197[0] : i32 from vector<1xi32>
      %dma_start3A_199 = arith.constant 15 : i32
      %dma_start3A_200 = arith.constant 0 : i32
      %dma_start3A_201 = tpu.memref_slice %arg6[%dma_start3A_199, %dma_start3A_200] : memref<400x16xf32, #tpu.memory_space<vmem>> -> memref<1x16xf32, #tpu.memory_space<vmem>>
      %dma_start3A_202 = arith.constant 0 : i32
      %dma_start3A_203 = tpu.memref_slice %arg2[%squeeze3A_198, %dma_start3A_202] : memref<1000000x16xf32, #tpu.memory_space<hbm>> -> memref<1x16xf32, #tpu.memory_space<hbm>>
      %dma_start3A_204 = arith.constant 15 : i32
      %dma_start3A_205 = arith.constant 0 : i32
      %dma_start3A_206 = tpu.memref_slice %arg6[%dma_start3A_204, %dma_start3A_205] : memref<400x16xf32, #tpu.memory_space<vmem>> -> memref<1x16xf32, #tpu.memory_space<vmem>>
      %dma_start3A_207 = arith.constant 0 : i32
      %dma_start3A_208 = tpu.memref_slice %arg2[%squeeze3A_198, %dma_start3A_207] : memref<1000000x16xf32, #tpu.memory_space<hbm>> -> memref<1x16xf32, #tpu.memory_space<hbm>>
      tpu.enqueue_dma source(%dma_start3A_208 : memref<1x16xf32, #tpu.memory_space<hbm>>) target(%dma_start3A_206 : memref<1x16xf32, #tpu.memory_space<vmem>>) target_semaphore(%arg8 : memref<!tpu.dma_semaphore, #tpu.memory_space<semaphore_mem>>)
      %scan3A_209 = arith.constant 0 : i32
      %scan3A_210 = arith.constant 1 : i32
      %scan3A_211 = arith.constant 24 : i32
      %scan3A_212 = arith.addi %scan3A_210, %scan3A_211 : i32
      %scan3A_213 = arith.constant 1 : i32
      %scan3A_214 = scf.for %scan3A_420 = %scan3A_210 to %scan3A_212 step %scan3A_213 iter_args(%scan3A_421 = %scan3A_209) -> (i32)  : i32 {
        %mul3A_422 = arith.constant 400 : i32
        %mul3A_423 = arith.muli %scan3A_11, %mul3A_422 : i32
        %mul3A_424 = arith.constant 16 : i32
        %mul3A_425 = arith.muli %scan3A_420, %mul3A_424 : i32
        %add3A_426 = arith.addi %mul3A_423, %mul3A_425 : i32
        %get3A_427 = arith.index_cast %add3A_426 : i32 to index
        %get3A_428 = tpu.vector_load %arg5[%get3A_427] {strides = array<i32>} : memref<1600xi32, #tpu.memory_space<vmem>>, vector<16xi32>,
        %get3A_429 = vector.shape_cast %get3A_428 : vector<16xi32> to vector<16xi32>
        %slice3A_430 = vector.extract_strided_slice %get3A_429 {offsets = [0], sizes = [1], strides = [1]} : vector<16xi32> to vector<1xi32>
        %squeeze3A_431 = vector.extract %slice3A_430[0] : i32 from vector<1xi32>
        %mul3A_432 = arith.constant 16 : i32
        %mul3A_433 = arith.muli %scan3A_420, %mul3A_432 : i32
        %add3A_434 = arith.constant 0 : i32
        %add3A_435 = arith.addi %mul3A_433, %add3A_434 : i32
        %dma_start3A_436 = arith.constant 0 : i32
        %dma_start3A_437 = tpu.memref_slice %arg6[%add3A_435, %dma_start3A_436] : memref<400x16xf32, #tpu.memory_space<vmem>> -> memref<1x16xf32, #tpu.memory_space<vmem>>
        %dma_start3A_438 = arith.constant 0 : i32
        %dma_start3A_439 = tpu.memref_slice %arg2[%squeeze3A_431, %dma_start3A_438] : memref<1000000x16xf32, #tpu.memory_space<hbm>> -> memref<1x16xf32, #tpu.memory_space<hbm>>
        %dma_start3A_440 = arith.constant 0 : i32
        %dma_start3A_441 = tpu.memref_slice %arg6[%add3A_435, %dma_start3A_440] : memref<400x16xf32, #tpu.memory_space<vmem>> -> memref<1x16xf32, #tpu.memory_space<vmem>>
        %dma_start3A_442 = arith.constant 0 : i32
        %dma_start3A_443 = tpu.memref_slice %arg2[%squeeze3A_431, %dma_start3A_442] : memref<1000000x16xf32, #tpu.memory_space<hbm>> -> memref<1x16xf32, #tpu.memory_space<hbm>>
        tpu.enqueue_dma source(%dma_start3A_443 : memref<1x16xf32, #tpu.memory_space<hbm>>) target(%dma_start3A_441 : memref<1x16xf32, #tpu.memory_space<vmem>>) target_semaphore(%arg8 : memref<!tpu.dma_semaphore, #tpu.memory_space<semaphore_mem>>)
        %slice3A_444 = vector.extract_strided_slice %get3A_429 {offsets = [1], sizes = [1], strides = [1]} : vector<16xi32> to vector<1xi32>
        %squeeze3A_445 = vector.extract %slice3A_444[0] : i32 from vector<1xi32>
        %mul3A_446 = arith.constant 16 : i32
        %mul3A_447 = arith.muli %scan3A_420, %mul3A_446 : i32
        %add3A_448 = arith.constant 1 : i32
        %add3A_449 = arith.addi %mul3A_447, %add3A_448 : i32
        %dma_start3A_450 = arith.constant 0 : i32
        %dma_start3A_451 = tpu.memref_slice %arg6[%add3A_449, %dma_start3A_450] : memref<400x16xf32, #tpu.memory_space<vmem>> -> memref<1x16xf32, #tpu.memory_space<vmem>>
        %dma_start3A_452 = arith.constant 0 : i32
        %dma_start3A_453 = tpu.memref_slice %arg2[%squeeze3A_445, %dma_start3A_452] : memref<1000000x16xf32, #tpu.memory_space<hbm>> -> memref<1x16xf32, #tpu.memory_space<hbm>>
        %dma_start3A_454 = arith.constant 0 : i32
        %dma_start3A_455 = tpu.memref_slice %arg6[%add3A_449, %dma_start3A_454] : memref<400x16xf32, #tpu.memory_space<vmem>> -> memref<1x16xf32, #tpu.memory_space<vmem>>
        %dma_start3A_456 = arith.constant 0 : i32
        %dma_start3A_457 = tpu.memref_slice %arg2[%squeeze3A_445, %dma_start3A_456] : memref<1000000x16xf32, #tpu.memory_space<hbm>> -> memref<1x16xf32, #tpu.memory_space<hbm>>
        tpu.enqueue_dma source(%dma_start3A_457 : memref<1x16xf32, #tpu.memory_space<hbm>>) target(%dma_start3A_455 : memref<1x16xf32, #tpu.memory_space<vmem>>) target_semaphore(%arg8 : memref<!tpu.dma_semaphore, #tpu.memory_space<semaphore_mem>>)
        %slice3A_458 = vector.extract_strided_slice %get3A_429 {offsets = [2], sizes = [1], strides = [1]} : vector<16xi32> to vector<1xi32>
        %squeeze3A_459 = vector.extract %slice3A_458[0] : i32 from vector<1xi32>
        %mul3A_460 = arith.constant 16 : i32
        %mul3A_461 = arith.muli %scan3A_420, %mul3A_460 : i32
        %add3A_462 = arith.constant 2 : i32
        %add3A_463 = arith.addi %mul3A_461, %add3A_462 : i32
        %dma_start3A_464 = arith.constant 0 : i32
        %dma_start3A_465 = tpu.memref_slice %arg6[%add3A_463, %dma_start3A_464] : memref<400x16xf32, #tpu.memory_space<vmem>> -> memref<1x16xf32, #tpu.memory_space<vmem>>
        %dma_start3A_466 = arith.constant 0 : i32
        %dma_start3A_467 = tpu.memref_slice %arg2[%squeeze3A_459, %dma_start3A_466] : memref<1000000x16xf32, #tpu.memory_space<hbm>> -> memref<1x16xf32, #tpu.memory_space<hbm>>
        %dma_start3A_468 = arith.constant 0 : i32
        %dma_start3A_469 = tpu.memref_slice %arg6[%add3A_463, %dma_start3A_468] : memref<400x16xf32, #tpu.memory_space<vmem>> -> memref<1x16xf32, #tpu.memory_space<vmem>>
        %dma_start3A_470 = arith.constant 0 : i32
        %dma_start3A_471 = tpu.memref_slice %arg2[%squeeze3A_459, %dma_start3A_470] : memref<1000000x16xf32, #tpu.memory_space<hbm>> -> memref<1x16xf32, #tpu.memory_space<hbm>>
        tpu.enqueue_dma source(%dma_start3A_471 : memref<1x16xf32, #tpu.memory_space<hbm>>) target(%dma_start3A_469 : memref<1x16xf32, #tpu.memory_space<vmem>>) target_semaphore(%arg8 : memref<!tpu.dma_semaphore, #tpu.memory_space<semaphore_mem>>)
        %slice3A_472 = vector.extract_strided_slice %get3A_429 {offsets = [3], sizes = [1], strides = [1]} : vector<16xi32> to vector<1xi32>
        %squeeze3A_473 = vector.extract %slice3A_472[0] : i32 from vector<1xi32>
        %mul3A_474 = arith.constant 16 : i32
        %mul3A_475 = arith.muli %scan3A_420, %mul3A_474 : i32
        %add3A_476 = arith.constant 3 : i32
        %add3A_477 = arith.addi %mul3A_475, %add3A_476 : i32
        %dma_start3A_478 = arith.constant 0 : i32
        %dma_start3A_479 = tpu.memref_slice %arg6[%add3A_477, %dma_start3A_478] : memref<400x16xf32, #tpu.memory_space<vmem>> -> memref<1x16xf32, #tpu.memory_space<vmem>>
        %dma_start3A_480 = arith.constant 0 : i32
        %dma_start3A_481 = tpu.memref_slice %arg2[%squeeze3A_473, %dma_start3A_480] : memref<1000000x16xf32, #tpu.memory_space<hbm>> -> memref<1x16xf32, #tpu.memory_space<hbm>>
        %dma_start3A_482 = arith.constant 0 : i32
        %dma_start3A_483 = tpu.memref_slice %arg6[%add3A_477, %dma_start3A_482] : memref<400x16xf32, #tpu.memory_space<vmem>> -> memref<1x16xf32, #tpu.memory_space<vmem>>
        %dma_start3A_484 = arith.constant 0 : i32
        %dma_start3A_485 = tpu.memref_slice %arg2[%squeeze3A_473, %dma_start3A_484] : memref<1000000x16xf32, #tpu.memory_space<hbm>> -> memref<1x16xf32, #tpu.memory_space<hbm>>
        tpu.enqueue_dma source(%dma_start3A_485 : memref<1x16xf32, #tpu.memory_space<hbm>>) target(%dma_start3A_483 : memref<1x16xf32, #tpu.memory_space<vmem>>) target_semaphore(%arg8 : memref<!tpu.dma_semaphore, #tpu.memory_space<semaphore_mem>>)
        %slice3A_486 = vector.extract_strided_slice %get3A_429 {offsets = [4], sizes = [1], strides = [1]} : vector<16xi32> to vector<1xi32>
        %squeeze3A_487 = vector.extract %slice3A_486[0] : i32 from vector<1xi32>
        %mul3A_488 = arith.constant 16 : i32
        %mul3A_489 = arith.muli %scan3A_420, %mul3A_488 : i32
        %add3A_490 = arith.constant 4 : i32
        %add3A_491 = arith.addi %mul3A_489, %add3A_490 : i32
        %dma_start3A_492 = arith.constant 0 : i32
        %dma_start3A_493 = tpu.memref_slice %arg6[%add3A_491, %dma_start3A_492] : memref<400x16xf32, #tpu.memory_space<vmem>> -> memref<1x16xf32, #tpu.memory_space<vmem>>
        %dma_start3A_494 = arith.constant 0 : i32
        %dma_start3A_495 = tpu.memref_slice %arg2[%squeeze3A_487, %dma_start3A_494] : memref<1000000x16xf32, #tpu.memory_space<hbm>> -> memref<1x16xf32, #tpu.memory_space<hbm>>
        %dma_start3A_496 = arith.constant 0 : i32
        %dma_start3A_497 = tpu.memref_slice %arg6[%add3A_491, %dma_start3A_496] : memref<400x16xf32, #tpu.memory_space<vmem>> -> memref<1x16xf32, #tpu.memory_space<vmem>>
        %dma_start3A_498 = arith.constant 0 : i32
        %dma_start3A_499 = tpu.memref_slice %arg2[%squeeze3A_487, %dma_start3A_498] : memref<1000000x16xf32, #tpu.memory_space<hbm>> -> memref<1x16xf32, #tpu.memory_space<hbm>>
        tpu.enqueue_dma source(%dma_start3A_499 : memref<1x16xf32, #tpu.memory_space<hbm>>) target(%dma_start3A_497 : memref<1x16xf32, #tpu.memory_space<vmem>>) target_semaphore(%arg8 : memref<!tpu.dma_semaphore, #tpu.memory_space<semaphore_mem>>)
        %slice3A_500 = vector.extract_strided_slice %get3A_429 {offsets = [5], sizes = [1], strides = [1]} : vector<16xi32> to vector<1xi32>
        %squeeze3A_501 = vector.extract %slice3A_500[0] : i32 from vector<1xi32>
        %mul3A_502 = arith.constant 16 : i32
        %mul3A_503 = arith.muli %scan3A_420, %mul3A_502 : i32
        %add3A_504 = arith.constant 5 : i32
        %add3A_505 = arith.addi %mul3A_503, %add3A_504 : i32
        %dma_start3A_506 = arith.constant 0 : i32
        %dma_start3A_507 = tpu.memref_slice %arg6[%add3A_505, %dma_start3A_506] : memref<400x16xf32, #tpu.memory_space<vmem>> -> memref<1x16xf32, #tpu.memory_space<vmem>>
        %dma_start3A_508 = arith.constant 0 : i32
        %dma_start3A_509 = tpu.memref_slice %arg2[%squeeze3A_501, %dma_start3A_508] : memref<1000000x16xf32, #tpu.memory_space<hbm>> -> memref<1x16xf32, #tpu.memory_space<hbm>>
        %dma_start3A_510 = arith.constant 0 : i32
        %dma_start3A_511 = tpu.memref_slice %arg6[%add3A_505, %dma_start3A_510] : memref<400x16xf32, #tpu.memory_space<vmem>> -> memref<1x16xf32, #tpu.memory_space<vmem>>
        %dma_start3A_512 = arith.constant 0 : i32
        %dma_start3A_513 = tpu.memref_slice %arg2[%squeeze3A_501, %dma_start3A_512] : memref<1000000x16xf32, #tpu.memory_space<hbm>> -> memref<1x16xf32, #tpu.memory_space<hbm>>
        tpu.enqueue_dma source(%dma_start3A_513 : memref<1x16xf32, #tpu.memory_space<hbm>>) target(%dma_start3A_511 : memref<1x16xf32, #tpu.memory_space<vmem>>) target_semaphore(%arg8 : memref<!tpu.dma_semaphore, #tpu.memory_space<semaphore_mem>>)
        %slice3A_514 = vector.extract_strided_slice %get3A_429 {offsets = [6], sizes = [1], strides = [1]} : vector<16xi32> to vector<1xi32>
        %squeeze3A_515 = vector.extract %slice3A_514[0] : i32 from vector<1xi32>
        %mul3A_516 = arith.constant 16 : i32
        %mul3A_517 = arith.muli %scan3A_420, %mul3A_516 : i32
        %add3A_518 = arith.constant 6 : i32
        %add3A_519 = arith.addi %mul3A_517, %add3A_518 : i32
        %dma_start3A_520 = arith.constant 0 : i32
        %dma_start3A_521 = tpu.memref_slice %arg6[%add3A_519, %dma_start3A_520] : memref<400x16xf32, #tpu.memory_space<vmem>> -> memref<1x16xf32, #tpu.memory_space<vmem>>
        %dma_start3A_522 = arith.constant 0 : i32
        %dma_start3A_523 = tpu.memref_slice %arg2[%squeeze3A_515, %dma_start3A_522] : memref<1000000x16xf32, #tpu.memory_space<hbm>> -> memref<1x16xf32, #tpu.memory_space<hbm>>
        %dma_start3A_524 = arith.constant 0 : i32
        %dma_start3A_525 = tpu.memref_slice %arg6[%add3A_519, %dma_start3A_524] : memref<400x16xf32, #tpu.memory_space<vmem>> -> memref<1x16xf32, #tpu.memory_space<vmem>>
        %dma_start3A_526 = arith.constant 0 : i32
        %dma_start3A_527 = tpu.memref_slice %arg2[%squeeze3A_515, %dma_start3A_526] : memref<1000000x16xf32, #tpu.memory_space<hbm>> -> memref<1x16xf32, #tpu.memory_space<hbm>>
        tpu.enqueue_dma source(%dma_start3A_527 : memref<1x16xf32, #tpu.memory_space<hbm>>) target(%dma_start3A_525 : memref<1x16xf32, #tpu.memory_space<vmem>>) target_semaphore(%arg8 : memref<!tpu.dma_semaphore, #tpu.memory_space<semaphore_mem>>)
        %slice3A_528 = vector.extract_strided_slice %get3A_429 {offsets = [7], sizes = [1], strides = [1]} : vector<16xi32> to vector<1xi32>
        %squeeze3A_529 = vector.extract %slice3A_528[0] : i32 from vector<1xi32>
        %mul3A_530 = arith.constant 16 : i32
        %mul3A_531 = arith.muli %scan3A_420, %mul3A_530 : i32
        %add3A_532 = arith.constant 7 : i32
        %add3A_533 = arith.addi %mul3A_531, %add3A_532 : i32
        %dma_start3A_534 = arith.constant 0 : i32
        %dma_start3A_535 = tpu.memref_slice %arg6[%add3A_533, %dma_start3A_534] : memref<400x16xf32, #tpu.memory_space<vmem>> -> memref<1x16xf32, #tpu.memory_space<vmem>>
        %dma_start3A_536 = arith.constant 0 : i32
        %dma_start3A_537 = tpu.memref_slice %arg2[%squeeze3A_529, %dma_start3A_536] : memref<1000000x16xf32, #tpu.memory_space<hbm>> -> memref<1x16xf32, #tpu.memory_space<hbm>>
        %dma_start3A_538 = arith.constant 0 : i32
        %dma_start3A_539 = tpu.memref_slice %arg6[%add3A_533, %dma_start3A_538] : memref<400x16xf32, #tpu.memory_space<vmem>> -> memref<1x16xf32, #tpu.memory_space<vmem>>
        %dma_start3A_540 = arith.constant 0 : i32
        %dma_start3A_541 = tpu.memref_slice %arg2[%squeeze3A_529, %dma_start3A_540] : memref<1000000x16xf32, #tpu.memory_space<hbm>> -> memref<1x16xf32, #tpu.memory_space<hbm>>
        tpu.enqueue_dma source(%dma_start3A_541 : memref<1x16xf32, #tpu.memory_space<hbm>>) target(%dma_start3A_539 : memref<1x16xf32, #tpu.memory_space<vmem>>) target_semaphore(%arg8 : memref<!tpu.dma_semaphore, #tpu.memory_space<semaphore_mem>>)
        %slice3A_542 = vector.extract_strided_slice %get3A_429 {offsets = [8], sizes = [1], strides = [1]} : vector<16xi32> to vector<1xi32>
        %squeeze3A_543 = vector.extract %slice3A_542[0] : i32 from vector<1xi32>
        %mul3A_544 = arith.constant 16 : i32
        %mul3A_545 = arith.muli %scan3A_420, %mul3A_544 : i32
        %add3A_546 = arith.constant 8 : i32
        %add3A_547 = arith.addi %mul3A_545, %add3A_546 : i32
        %dma_start3A_548 = arith.constant 0 : i32
        %dma_start3A_549 = tpu.memref_slice %arg6[%add3A_547, %dma_start3A_548] : memref<400x16xf32, #tpu.memory_space<vmem>> -> memref<1x16xf32, #tpu.memory_space<vmem>>
        %dma_start3A_550 = arith.constant 0 : i32
        %dma_start3A_551 = tpu.memref_slice %arg2[%squeeze3A_543, %dma_start3A_550] : memref<1000000x16xf32, #tpu.memory_space<hbm>> -> memref<1x16xf32, #tpu.memory_space<hbm>>
        %dma_start3A_552 = arith.constant 0 : i32
        %dma_start3A_553 = tpu.memref_slice %arg6[%add3A_547, %dma_start3A_552] : memref<400x16xf32, #tpu.memory_space<vmem>> -> memref<1x16xf32, #tpu.memory_space<vmem>>
        %dma_start3A_554 = arith.constant 0 : i32
        %dma_start3A_555 = tpu.memref_slice %arg2[%squeeze3A_543, %dma_start3A_554] : memref<1000000x16xf32, #tpu.memory_space<hbm>> -> memref<1x16xf32, #tpu.memory_space<hbm>>
        tpu.enqueue_dma source(%dma_start3A_555 : memref<1x16xf32, #tpu.memory_space<hbm>>) target(%dma_start3A_553 : memref<1x16xf32, #tpu.memory_space<vmem>>) target_semaphore(%arg8 : memref<!tpu.dma_semaphore, #tpu.memory_space<semaphore_mem>>)
        %slice3A_556 = vector.extract_strided_slice %get3A_429 {offsets = [9], sizes = [1], strides = [1]} : vector<16xi32> to vector<1xi32>
        %squeeze3A_557 = vector.extract %slice3A_556[0] : i32 from vector<1xi32>
        %mul3A_558 = arith.constant 16 : i32
        %mul3A_559 = arith.muli %scan3A_420, %mul3A_558 : i32
        %add3A_560 = arith.constant 9 : i32
        %add3A_561 = arith.addi %mul3A_559, %add3A_560 : i32
        %dma_start3A_562 = arith.constant 0 : i32
        %dma_start3A_563 = tpu.memref_slice %arg6[%add3A_561, %dma_start3A_562] : memref<400x16xf32, #tpu.memory_space<vmem>> -> memref<1x16xf32, #tpu.memory_space<vmem>>
        %dma_start3A_564 = arith.constant 0 : i32
        %dma_start3A_565 = tpu.memref_slice %arg2[%squeeze3A_557, %dma_start3A_564] : memref<1000000x16xf32, #tpu.memory_space<hbm>> -> memref<1x16xf32, #tpu.memory_space<hbm>>
        %dma_start3A_566 = arith.constant 0 : i32
        %dma_start3A_567 = tpu.memref_slice %arg6[%add3A_561, %dma_start3A_566] : memref<400x16xf32, #tpu.memory_space<vmem>> -> memref<1x16xf32, #tpu.memory_space<vmem>>
        %dma_start3A_568 = arith.constant 0 : i32
        %dma_start3A_569 = tpu.memref_slice %arg2[%squeeze3A_557, %dma_start3A_568] : memref<1000000x16xf32, #tpu.memory_space<hbm>> -> memref<1x16xf32, #tpu.memory_space<hbm>>
        tpu.enqueue_dma source(%dma_start3A_569 : memref<1x16xf32, #tpu.memory_space<hbm>>) target(%dma_start3A_567 : memref<1x16xf32, #tpu.memory_space<vmem>>) target_semaphore(%arg8 : memref<!tpu.dma_semaphore, #tpu.memory_space<semaphore_mem>>)
        %slice3A_570 = vector.extract_strided_slice %get3A_429 {offsets = [10], sizes = [1], strides = [1]} : vector<16xi32> to vector<1xi32>
        %squeeze3A_571 = vector.extract %slice3A_570[0] : i32 from vector<1xi32>
        %mul3A_572 = arith.constant 16 : i32
        %mul3A_573 = arith.muli %scan3A_420, %mul3A_572 : i32
        %add3A_574 = arith.constant 10 : i32
        %add3A_575 = arith.addi %mul3A_573, %add3A_574 : i32
        %dma_start3A_576 = arith.constant 0 : i32
        %dma_start3A_577 = tpu.memref_slice %arg6[%add3A_575, %dma_start3A_576] : memref<400x16xf32, #tpu.memory_space<vmem>> -> memref<1x16xf32, #tpu.memory_space<vmem>>
        %dma_start3A_578 = arith.constant 0 : i32
        %dma_start3A_579 = tpu.memref_slice %arg2[%squeeze3A_571, %dma_start3A_578] : memref<1000000x16xf32, #tpu.memory_space<hbm>> -> memref<1x16xf32, #tpu.memory_space<hbm>>
        %dma_start3A_580 = arith.constant 0 : i32
        %dma_start3A_581 = tpu.memref_slice %arg6[%add3A_575, %dma_start3A_580] : memref<400x16xf32, #tpu.memory_space<vmem>> -> memref<1x16xf32, #tpu.memory_space<vmem>>
        %dma_start3A_582 = arith.constant 0 : i32
        %dma_start3A_583 = tpu.memref_slice %arg2[%squeeze3A_571, %dma_start3A_582] : memref<1000000x16xf32, #tpu.memory_space<hbm>> -> memref<1x16xf32, #tpu.memory_space<hbm>>
        tpu.enqueue_dma source(%dma_start3A_583 : memref<1x16xf32, #tpu.memory_space<hbm>>) target(%dma_start3A_581 : memref<1x16xf32, #tpu.memory_space<vmem>>) target_semaphore(%arg8 : memref<!tpu.dma_semaphore, #tpu.memory_space<semaphore_mem>>)
        %slice3A_584 = vector.extract_strided_slice %get3A_429 {offsets = [11], sizes = [1], strides = [1]} : vector<16xi32> to vector<1xi32>
        %squeeze3A_585 = vector.extract %slice3A_584[0] : i32 from vector<1xi32>
        %mul3A_586 = arith.constant 16 : i32
        %mul3A_587 = arith.muli %scan3A_420, %mul3A_586 : i32
        %add3A_588 = arith.constant 11 : i32
        %add3A_589 = arith.addi %mul3A_587, %add3A_588 : i32
        %dma_start3A_590 = arith.constant 0 : i32
        %dma_start3A_591 = tpu.memref_slice %arg6[%add3A_589, %dma_start3A_590] : memref<400x16xf32, #tpu.memory_space<vmem>> -> memref<1x16xf32, #tpu.memory_space<vmem>>
        %dma_start3A_592 = arith.constant 0 : i32
        %dma_start3A_593 = tpu.memref_slice %arg2[%squeeze3A_585, %dma_start3A_592] : memref<1000000x16xf32, #tpu.memory_space<hbm>> -> memref<1x16xf32, #tpu.memory_space<hbm>>
        %dma_start3A_594 = arith.constant 0 : i32
        %dma_start3A_595 = tpu.memref_slice %arg6[%add3A_589, %dma_start3A_594] : memref<400x16xf32, #tpu.memory_space<vmem>> -> memref<1x16xf32, #tpu.memory_space<vmem>>
        %dma_start3A_596 = arith.constant 0 : i32
        %dma_start3A_597 = tpu.memref_slice %arg2[%squeeze3A_585, %dma_start3A_596] : memref<1000000x16xf32, #tpu.memory_space<hbm>> -> memref<1x16xf32, #tpu.memory_space<hbm>>
        tpu.enqueue_dma source(%dma_start3A_597 : memref<1x16xf32, #tpu.memory_space<hbm>>) target(%dma_start3A_595 : memref<1x16xf32, #tpu.memory_space<vmem>>) target_semaphore(%arg8 : memref<!tpu.dma_semaphore, #tpu.memory_space<semaphore_mem>>)
        %slice3A_598 = vector.extract_strided_slice %get3A_429 {offsets = [12], sizes = [1], strides = [1]} : vector<16xi32> to vector<1xi32>
        %squeeze3A_599 = vector.extract %slice3A_598[0] : i32 from vector<1xi32>
        %mul3A_600 = arith.constant 16 : i32
        %mul3A_601 = arith.muli %scan3A_420, %mul3A_600 : i32
        %add3A_602 = arith.constant 12 : i32
        %add3A_603 = arith.addi %mul3A_601, %add3A_602 : i32
        %dma_start3A_604 = arith.constant 0 : i32
        %dma_start3A_605 = tpu.memref_slice %arg6[%add3A_603, %dma_start3A_604] : memref<400x16xf32, #tpu.memory_space<vmem>> -> memref<1x16xf32, #tpu.memory_space<vmem>>
        %dma_start3A_606 = arith.constant 0 : i32
        %dma_start3A_607 = tpu.memref_slice %arg2[%squeeze3A_599, %dma_start3A_606] : memref<1000000x16xf32, #tpu.memory_space<hbm>> -> memref<1x16xf32, #tpu.memory_space<hbm>>
        %dma_start3A_608 = arith.constant 0 : i32
        %dma_start3A_609 = tpu.memref_slice %arg6[%add3A_603, %dma_start3A_608] : memref<400x16xf32, #tpu.memory_space<vmem>> -> memref<1x16xf32, #tpu.memory_space<vmem>>
        %dma_start3A_610 = arith.constant 0 : i32
        %dma_start3A_611 = tpu.memref_slice %arg2[%squeeze3A_599, %dma_start3A_610] : memref<1000000x16xf32, #tpu.memory_space<hbm>> -> memref<1x16xf32, #tpu.memory_space<hbm>>
        tpu.enqueue_dma source(%dma_start3A_611 : memref<1x16xf32, #tpu.memory_space<hbm>>) target(%dma_start3A_609 : memref<1x16xf32, #tpu.memory_space<vmem>>) target_semaphore(%arg8 : memref<!tpu.dma_semaphore, #tpu.memory_space<semaphore_mem>>)
        %slice3A_612 = vector.extract_strided_slice %get3A_429 {offsets = [13], sizes = [1], strides = [1]} : vector<16xi32> to vector<1xi32>
        %squeeze3A_613 = vector.extract %slice3A_612[0] : i32 from vector<1xi32>
        %mul3A_614 = arith.constant 16 : i32
        %mul3A_615 = arith.muli %scan3A_420, %mul3A_614 : i32
        %add3A_616 = arith.constant 13 : i32
        %add3A_617 = arith.addi %mul3A_615, %add3A_616 : i32
        %dma_start3A_618 = arith.constant 0 : i32
        %dma_start3A_619 = tpu.memref_slice %arg6[%add3A_617, %dma_start3A_618] : memref<400x16xf32, #tpu.memory_space<vmem>> -> memref<1x16xf32, #tpu.memory_space<vmem>>
        %dma_start3A_620 = arith.constant 0 : i32
        %dma_start3A_621 = tpu.memref_slice %arg2[%squeeze3A_613, %dma_start3A_620] : memref<1000000x16xf32, #tpu.memory_space<hbm>> -> memref<1x16xf32, #tpu.memory_space<hbm>>
        %dma_start3A_622 = arith.constant 0 : i32
        %dma_start3A_623 = tpu.memref_slice %arg6[%add3A_617, %dma_start3A_622] : memref<400x16xf32, #tpu.memory_space<vmem>> -> memref<1x16xf32, #tpu.memory_space<vmem>>
        %dma_start3A_624 = arith.constant 0 : i32
        %dma_start3A_625 = tpu.memref_slice %arg2[%squeeze3A_613, %dma_start3A_624] : memref<1000000x16xf32, #tpu.memory_space<hbm>> -> memref<1x16xf32, #tpu.memory_space<hbm>>
        tpu.enqueue_dma source(%dma_start3A_625 : memref<1x16xf32, #tpu.memory_space<hbm>>) target(%dma_start3A_623 : memref<1x16xf32, #tpu.memory_space<vmem>>) target_semaphore(%arg8 : memref<!tpu.dma_semaphore, #tpu.memory_space<semaphore_mem>>)
        %slice3A_626 = vector.extract_strided_slice %get3A_429 {offsets = [14], sizes = [1], strides = [1]} : vector<16xi32> to vector<1xi32>
        %squeeze3A_627 = vector.extract %slice3A_626[0] : i32 from vector<1xi32>
        %mul3A_628 = arith.constant 16 : i32
        %mul3A_629 = arith.muli %scan3A_420, %mul3A_628 : i32
        %add3A_630 = arith.constant 14 : i32
        %add3A_631 = arith.addi %mul3A_629, %add3A_630 : i32
        %dma_start3A_632 = arith.constant 0 : i32
        %dma_start3A_633 = tpu.memref_slice %arg6[%add3A_631, %dma_start3A_632] : memref<400x16xf32, #tpu.memory_space<vmem>> -> memref<1x16xf32, #tpu.memory_space<vmem>>
        %dma_start3A_634 = arith.constant 0 : i32
        %dma_start3A_635 = tpu.memref_slice %arg2[%squeeze3A_627, %dma_start3A_634] : memref<1000000x16xf32, #tpu.memory_space<hbm>> -> memref<1x16xf32, #tpu.memory_space<hbm>>
        %dma_start3A_636 = arith.constant 0 : i32
        %dma_start3A_637 = tpu.memref_slice %arg6[%add3A_631, %dma_start3A_636] : memref<400x16xf32, #tpu.memory_space<vmem>> -> memref<1x16xf32, #tpu.memory_space<vmem>>
        %dma_start3A_638 = arith.constant 0 : i32
        %dma_start3A_639 = tpu.memref_slice %arg2[%squeeze3A_627, %dma_start3A_638] : memref<1000000x16xf32, #tpu.memory_space<hbm>> -> memref<1x16xf32, #tpu.memory_space<hbm>>
        tpu.enqueue_dma source(%dma_start3A_639 : memref<1x16xf32, #tpu.memory_space<hbm>>) target(%dma_start3A_637 : memref<1x16xf32, #tpu.memory_space<vmem>>) target_semaphore(%arg8 : memref<!tpu.dma_semaphore, #tpu.memory_space<semaphore_mem>>)
        %slice3A_640 = vector.extract_strided_slice %get3A_429 {offsets = [15], sizes = [1], strides = [1]} : vector<16xi32> to vector<1xi32>
        %squeeze3A_641 = vector.extract %slice3A_640[0] : i32 from vector<1xi32>
        %mul3A_642 = arith.constant 16 : i32
        %mul3A_643 = arith.muli %scan3A_420, %mul3A_642 : i32
        %add3A_644 = arith.constant 15 : i32
        %add3A_645 = arith.addi %mul3A_643, %add3A_644 : i32
        %dma_start3A_646 = arith.constant 0 : i32
        %dma_start3A_647 = tpu.memref_slice %arg6[%add3A_645, %dma_start3A_646] : memref<400x16xf32, #tpu.memory_space<vmem>> -> memref<1x16xf32, #tpu.memory_space<vmem>>
        %dma_start3A_648 = arith.constant 0 : i32
        %dma_start3A_649 = tpu.memref_slice %arg2[%squeeze3A_641, %dma_start3A_648] : memref<1000000x16xf32, #tpu.memory_space<hbm>> -> memref<1x16xf32, #tpu.memory_space<hbm>>
        %dma_start3A_650 = arith.constant 0 : i32
        %dma_start3A_651 = tpu.memref_slice %arg6[%add3A_645, %dma_start3A_650] : memref<400x16xf32, #tpu.memory_space<vmem>> -> memref<1x16xf32, #tpu.memory_space<vmem>>
        %dma_start3A_652 = arith.constant 0 : i32
        %dma_start3A_653 = tpu.memref_slice %arg2[%squeeze3A_641, %dma_start3A_652] : memref<1000000x16xf32, #tpu.memory_space<hbm>> -> memref<1x16xf32, #tpu.memory_space<hbm>>
        tpu.enqueue_dma source(%dma_start3A_653 : memref<1x16xf32, #tpu.memory_space<hbm>>) target(%dma_start3A_651 : memref<1x16xf32, #tpu.memory_space<vmem>>) target_semaphore(%arg8 : memref<!tpu.dma_semaphore, #tpu.memory_space<semaphore_mem>>)
        %sub3A = arith.constant 1 : i32
        %sub3A_654 = arith.subi %scan3A_420, %sub3A : i32
        %mul3A_655 = arith.constant 16 : i32
        %mul3A_656 = arith.muli %sub3A_654, %mul3A_655 : i32
        %add3A_657 = arith.constant 0 : i32
        %add3A_658 = arith.addi %mul3A_656, %add3A_657 : i32
        %dma_wait3A_659 = arith.constant 0 : i32
        %dma_wait3A_660 = tpu.memref_slice %arg6[%add3A_658, %dma_wait3A_659] : memref<400x16xf32, #tpu.memory_space<vmem>> -> memref<1x16xf32, #tpu.memory_space<vmem>>
        %dma_wait3A_661 = arith.constant 0 : i32
        %dma_wait3A_662 = arith.constant 0 : i32
        %dma_wait3A_663 = tpu.memref_slice %arg2[%dma_wait3A_661, %dma_wait3A_662] : memref<1000000x16xf32, #tpu.memory_space<hbm>> -> memref<1x16xf32, #tpu.memory_space<hbm>>
        %dma_wait3A_664 = arith.constant 0 : i32
        %dma_wait3A_665 = tpu.memref_slice %arg6[%add3A_658, %dma_wait3A_664] : memref<400x16xf32, #tpu.memory_space<vmem>> -> memref<1x16xf32, #tpu.memory_space<vmem>>
        %dma_wait3A_666 = arith.constant 0 : i32
        %dma_wait3A_667 = arith.constant 0 : i32
        %dma_wait3A_668 = tpu.memref_slice %arg2[%dma_wait3A_666, %dma_wait3A_667] : memref<1000000x16xf32, #tpu.memory_space<hbm>> -> memref<1x16xf32, #tpu.memory_space<hbm>>
        tpu.wait_dma2 semaphore(%arg8 : memref<!tpu.dma_semaphore, #tpu.memory_space<semaphore_mem>>) src(%dma_wait3A_668 : memref<1x16xf32, #tpu.memory_space<hbm>>) dst(%dma_wait3A_665 : memref<1x16xf32, #tpu.memory_space<vmem>>)
        %mul3A_669 = arith.constant 16 : i32
        %mul3A_670 = arith.muli %sub3A_654, %mul3A_669 : i32
        %add3A_671 = arith.constant 1 : i32
        %add3A_672 = arith.addi %mul3A_670, %add3A_671 : i32
        %dma_wait3A_673 = arith.constant 0 : i32
        %dma_wait3A_674 = tpu.memref_slice %arg6[%add3A_672, %dma_wait3A_673] : memref<400x16xf32, #tpu.memory_space<vmem>> -> memref<1x16xf32, #tpu.memory_space<vmem>>
        %dma_wait3A_675 = arith.constant 0 : i32
        %dma_wait3A_676 = arith.constant 0 : i32
        %dma_wait3A_677 = tpu.memref_slice %arg2[%dma_wait3A_675, %dma_wait3A_676] : memref<1000000x16xf32, #tpu.memory_space<hbm>> -> memref<1x16xf32, #tpu.memory_space<hbm>>
        %dma_wait3A_678 = arith.constant 0 : i32
        %dma_wait3A_679 = tpu.memref_slice %arg6[%add3A_672, %dma_wait3A_678] : memref<400x16xf32, #tpu.memory_space<vmem>> -> memref<1x16xf32, #tpu.memory_space<vmem>>
        %dma_wait3A_680 = arith.constant 0 : i32
        %dma_wait3A_681 = arith.constant 0 : i32
        %dma_wait3A_682 = tpu.memref_slice %arg2[%dma_wait3A_680, %dma_wait3A_681] : memref<1000000x16xf32, #tpu.memory_space<hbm>> -> memref<1x16xf32, #tpu.memory_space<hbm>>
        tpu.wait_dma2 semaphore(%arg8 : memref<!tpu.dma_semaphore, #tpu.memory_space<semaphore_mem>>) src(%dma_wait3A_682 : memref<1x16xf32, #tpu.memory_space<hbm>>) dst(%dma_wait3A_679 : memref<1x16xf32, #tpu.memory_space<vmem>>)
        %mul3A_683 = arith.constant 16 : i32
        %mul3A_684 = arith.muli %sub3A_654, %mul3A_683 : i32
        %add3A_685 = arith.constant 2 : i32
        %add3A_686 = arith.addi %mul3A_684, %add3A_685 : i32
        %dma_wait3A_687 = arith.constant 0 : i32
        %dma_wait3A_688 = tpu.memref_slice %arg6[%add3A_686, %dma_wait3A_687] : memref<400x16xf32, #tpu.memory_space<vmem>> -> memref<1x16xf32, #tpu.memory_space<vmem>>
        %dma_wait3A_689 = arith.constant 0 : i32
        %dma_wait3A_690 = arith.constant 0 : i32
        %dma_wait3A_691 = tpu.memref_slice %arg2[%dma_wait3A_689, %dma_wait3A_690] : memref<1000000x16xf32, #tpu.memory_space<hbm>> -> memref<1x16xf32, #tpu.memory_space<hbm>>
        %dma_wait3A_692 = arith.constant 0 : i32
        %dma_wait3A_693 = tpu.memref_slice %arg6[%add3A_686, %dma_wait3A_692] : memref<400x16xf32, #tpu.memory_space<vmem>> -> memref<1x16xf32, #tpu.memory_space<vmem>>
        %dma_wait3A_694 = arith.constant 0 : i32
        %dma_wait3A_695 = arith.constant 0 : i32
        %dma_wait3A_696 = tpu.memref_slice %arg2[%dma_wait3A_694, %dma_wait3A_695] : memref<1000000x16xf32, #tpu.memory_space<hbm>> -> memref<1x16xf32, #tpu.memory_space<hbm>>
        tpu.wait_dma2 semaphore(%arg8 : memref<!tpu.dma_semaphore, #tpu.memory_space<semaphore_mem>>) src(%dma_wait3A_696 : memref<1x16xf32, #tpu.memory_space<hbm>>) dst(%dma_wait3A_693 : memref<1x16xf32, #tpu.memory_space<vmem>>)
        %mul3A_697 = arith.constant 16 : i32
        %mul3A_698 = arith.muli %sub3A_654, %mul3A_697 : i32
        %add3A_699 = arith.constant 3 : i32
        %add3A_700 = arith.addi %mul3A_698, %add3A_699 : i32
        %dma_wait3A_701 = arith.constant 0 : i32
        %dma_wait3A_702 = tpu.memref_slice %arg6[%add3A_700, %dma_wait3A_701] : memref<400x16xf32, #tpu.memory_space<vmem>> -> memref<1x16xf32, #tpu.memory_space<vmem>>
        %dma_wait3A_703 = arith.constant 0 : i32
        %dma_wait3A_704 = arith.constant 0 : i32
        %dma_wait3A_705 = tpu.memref_slice %arg2[%dma_wait3A_703, %dma_wait3A_704] : memref<1000000x16xf32, #tpu.memory_space<hbm>> -> memref<1x16xf32, #tpu.memory_space<hbm>>
        %dma_wait3A_706 = arith.constant 0 : i32
        %dma_wait3A_707 = tpu.memref_slice %arg6[%add3A_700, %dma_wait3A_706] : memref<400x16xf32, #tpu.memory_space<vmem>> -> memref<1x16xf32, #tpu.memory_space<vmem>>
        %dma_wait3A_708 = arith.constant 0 : i32
        %dma_wait3A_709 = arith.constant 0 : i32
        %dma_wait3A_710 = tpu.memref_slice %arg2[%dma_wait3A_708, %dma_wait3A_709] : memref<1000000x16xf32, #tpu.memory_space<hbm>> -> memref<1x16xf32, #tpu.memory_space<hbm>>
        tpu.wait_dma2 semaphore(%arg8 : memref<!tpu.dma_semaphore, #tpu.memory_space<semaphore_mem>>) src(%dma_wait3A_710 : memref<1x16xf32, #tpu.memory_space<hbm>>) dst(%dma_wait3A_707 : memref<1x16xf32, #tpu.memory_space<vmem>>)
        %mul3A_711 = arith.constant 16 : i32
        %mul3A_712 = arith.muli %sub3A_654, %mul3A_711 : i32
        %add3A_713 = arith.constant 4 : i32
        %add3A_714 = arith.addi %mul3A_712, %add3A_713 : i32
        %dma_wait3A_715 = arith.constant 0 : i32
        %dma_wait3A_716 = tpu.memref_slice %arg6[%add3A_714, %dma_wait3A_715] : memref<400x16xf32, #tpu.memory_space<vmem>> -> memref<1x16xf32, #tpu.memory_space<vmem>>
        %dma_wait3A_717 = arith.constant 0 : i32
        %dma_wait3A_718 = arith.constant 0 : i32
        %dma_wait3A_719 = tpu.memref_slice %arg2[%dma_wait3A_717, %dma_wait3A_718] : memref<1000000x16xf32, #tpu.memory_space<hbm>> -> memref<1x16xf32, #tpu.memory_space<hbm>>
        %dma_wait3A_720 = arith.constant 0 : i32
        %dma_wait3A_721 = tpu.memref_slice %arg6[%add3A_714, %dma_wait3A_720] : memref<400x16xf32, #tpu.memory_space<vmem>> -> memref<1x16xf32, #tpu.memory_space<vmem>>
        %dma_wait3A_722 = arith.constant 0 : i32
        %dma_wait3A_723 = arith.constant 0 : i32
        %dma_wait3A_724 = tpu.memref_slice %arg2[%dma_wait3A_722, %dma_wait3A_723] : memref<1000000x16xf32, #tpu.memory_space<hbm>> -> memref<1x16xf32, #tpu.memory_space<hbm>>
        tpu.wait_dma2 semaphore(%arg8 : memref<!tpu.dma_semaphore, #tpu.memory_space<semaphore_mem>>) src(%dma_wait3A_724 : memref<1x16xf32, #tpu.memory_space<hbm>>) dst(%dma_wait3A_721 : memref<1x16xf32, #tpu.memory_space<vmem>>)
        %mul3A_725 = arith.constant 16 : i32
        %mul3A_726 = arith.muli %sub3A_654, %mul3A_725 : i32
        %add3A_727 = arith.constant 5 : i32
        %add3A_728 = arith.addi %mul3A_726, %add3A_727 : i32
        %dma_wait3A_729 = arith.constant 0 : i32
        %dma_wait3A_730 = tpu.memref_slice %arg6[%add3A_728, %dma_wait3A_729] : memref<400x16xf32, #tpu.memory_space<vmem>> -> memref<1x16xf32, #tpu.memory_space<vmem>>
        %dma_wait3A_731 = arith.constant 0 : i32
        %dma_wait3A_732 = arith.constant 0 : i32
        %dma_wait3A_733 = tpu.memref_slice %arg2[%dma_wait3A_731, %dma_wait3A_732] : memref<1000000x16xf32, #tpu.memory_space<hbm>> -> memref<1x16xf32, #tpu.memory_space<hbm>>
        %dma_wait3A_734 = arith.constant 0 : i32
        %dma_wait3A_735 = tpu.memref_slice %arg6[%add3A_728, %dma_wait3A_734] : memref<400x16xf32, #tpu.memory_space<vmem>> -> memref<1x16xf32, #tpu.memory_space<vmem>>
        %dma_wait3A_736 = arith.constant 0 : i32
        %dma_wait3A_737 = arith.constant 0 : i32
        %dma_wait3A_738 = tpu.memref_slice %arg2[%dma_wait3A_736, %dma_wait3A_737] : memref<1000000x16xf32, #tpu.memory_space<hbm>> -> memref<1x16xf32, #tpu.memory_space<hbm>>
        tpu.wait_dma2 semaphore(%arg8 : memref<!tpu.dma_semaphore, #tpu.memory_space<semaphore_mem>>) src(%dma_wait3A_738 : memref<1x16xf32, #tpu.memory_space<hbm>>) dst(%dma_wait3A_735 : memref<1x16xf32, #tpu.memory_space<vmem>>)
        %mul3A_739 = arith.constant 16 : i32
        %mul3A_740 = arith.muli %sub3A_654, %mul3A_739 : i32
        %add3A_741 = arith.constant 6 : i32
        %add3A_742 = arith.addi %mul3A_740, %add3A_741 : i32
        %dma_wait3A_743 = arith.constant 0 : i32
        %dma_wait3A_744 = tpu.memref_slice %arg6[%add3A_742, %dma_wait3A_743] : memref<400x16xf32, #tpu.memory_space<vmem>> -> memref<1x16xf32, #tpu.memory_space<vmem>>
        %dma_wait3A_745 = arith.constant 0 : i32
        %dma_wait3A_746 = arith.constant 0 : i32
        %dma_wait3A_747 = tpu.memref_slice %arg2[%dma_wait3A_745, %dma_wait3A_746] : memref<1000000x16xf32, #tpu.memory_space<hbm>> -> memref<1x16xf32, #tpu.memory_space<hbm>>
        %dma_wait3A_748 = arith.constant 0 : i32
        %dma_wait3A_749 = tpu.memref_slice %arg6[%add3A_742, %dma_wait3A_748] : memref<400x16xf32, #tpu.memory_space<vmem>> -> memref<1x16xf32, #tpu.memory_space<vmem>>
        %dma_wait3A_750 = arith.constant 0 : i32
        %dma_wait3A_751 = arith.constant 0 : i32
        %dma_wait3A_752 = tpu.memref_slice %arg2[%dma_wait3A_750, %dma_wait3A_751] : memref<1000000x16xf32, #tpu.memory_space<hbm>> -> memref<1x16xf32, #tpu.memory_space<hbm>>
        tpu.wait_dma2 semaphore(%arg8 : memref<!tpu.dma_semaphore, #tpu.memory_space<semaphore_mem>>) src(%dma_wait3A_752 : memref<1x16xf32, #tpu.memory_space<hbm>>) dst(%dma_wait3A_749 : memref<1x16xf32, #tpu.memory_space<vmem>>)
        %mul3A_753 = arith.constant 16 : i32
        %mul3A_754 = arith.muli %sub3A_654, %mul3A_753 : i32
        %add3A_755 = arith.constant 7 : i32
        %add3A_756 = arith.addi %mul3A_754, %add3A_755 : i32
        %dma_wait3A_757 = arith.constant 0 : i32
        %dma_wait3A_758 = tpu.memref_slice %arg6[%add3A_756, %dma_wait3A_757] : memref<400x16xf32, #tpu.memory_space<vmem>> -> memref<1x16xf32, #tpu.memory_space<vmem>>
        %dma_wait3A_759 = arith.constant 0 : i32
        %dma_wait3A_760 = arith.constant 0 : i32
        %dma_wait3A_761 = tpu.memref_slice %arg2[%dma_wait3A_759, %dma_wait3A_760] : memref<1000000x16xf32, #tpu.memory_space<hbm>> -> memref<1x16xf32, #tpu.memory_space<hbm>>
        %dma_wait3A_762 = arith.constant 0 : i32
        %dma_wait3A_763 = tpu.memref_slice %arg6[%add3A_756, %dma_wait3A_762] : memref<400x16xf32, #tpu.memory_space<vmem>> -> memref<1x16xf32, #tpu.memory_space<vmem>>
        %dma_wait3A_764 = arith.constant 0 : i32
        %dma_wait3A_765 = arith.constant 0 : i32
        %dma_wait3A_766 = tpu.memref_slice %arg2[%dma_wait3A_764, %dma_wait3A_765] : memref<1000000x16xf32, #tpu.memory_space<hbm>> -> memref<1x16xf32, #tpu.memory_space<hbm>>
        tpu.wait_dma2 semaphore(%arg8 : memref<!tpu.dma_semaphore, #tpu.memory_space<semaphore_mem>>) src(%dma_wait3A_766 : memref<1x16xf32, #tpu.memory_space<hbm>>) dst(%dma_wait3A_763 : memref<1x16xf32, #tpu.memory_space<vmem>>)
        %mul3A_767 = arith.constant 16 : i32
        %mul3A_768 = arith.muli %sub3A_654, %mul3A_767 : i32
        %add3A_769 = arith.constant 8 : i32
        %add3A_770 = arith.addi %mul3A_768, %add3A_769 : i32
        %dma_wait3A_771 = arith.constant 0 : i32
        %dma_wait3A_772 = tpu.memref_slice %arg6[%add3A_770, %dma_wait3A_771] : memref<400x16xf32, #tpu.memory_space<vmem>> -> memref<1x16xf32, #tpu.memory_space<vmem>>
        %dma_wait3A_773 = arith.constant 0 : i32
        %dma_wait3A_774 = arith.constant 0 : i32
        %dma_wait3A_775 = tpu.memref_slice %arg2[%dma_wait3A_773, %dma_wait3A_774] : memref<1000000x16xf32, #tpu.memory_space<hbm>> -> memref<1x16xf32, #tpu.memory_space<hbm>>
        %dma_wait3A_776 = arith.constant 0 : i32
        %dma_wait3A_777 = tpu.memref_slice %arg6[%add3A_770, %dma_wait3A_776] : memref<400x16xf32, #tpu.memory_space<vmem>> -> memref<1x16xf32, #tpu.memory_space<vmem>>
        %dma_wait3A_778 = arith.constant 0 : i32
        %dma_wait3A_779 = arith.constant 0 : i32
        %dma_wait3A_780 = tpu.memref_slice %arg2[%dma_wait3A_778, %dma_wait3A_779] : memref<1000000x16xf32, #tpu.memory_space<hbm>> -> memref<1x16xf32, #tpu.memory_space<hbm>>
        tpu.wait_dma2 semaphore(%arg8 : memref<!tpu.dma_semaphore, #tpu.memory_space<semaphore_mem>>) src(%dma_wait3A_780 : memref<1x16xf32, #tpu.memory_space<hbm>>) dst(%dma_wait3A_777 : memref<1x16xf32, #tpu.memory_space<vmem>>)
        %mul3A_781 = arith.constant 16 : i32
        %mul3A_782 = arith.muli %sub3A_654, %mul3A_781 : i32
        %add3A_783 = arith.constant 9 : i32
        %add3A_784 = arith.addi %mul3A_782, %add3A_783 : i32
        %dma_wait3A_785 = arith.constant 0 : i32
        %dma_wait3A_786 = tpu.memref_slice %arg6[%add3A_784, %dma_wait3A_785] : memref<400x16xf32, #tpu.memory_space<vmem>> -> memref<1x16xf32, #tpu.memory_space<vmem>>
        %dma_wait3A_787 = arith.constant 0 : i32
        %dma_wait3A_788 = arith.constant 0 : i32
        %dma_wait3A_789 = tpu.memref_slice %arg2[%dma_wait3A_787, %dma_wait3A_788] : memref<1000000x16xf32, #tpu.memory_space<hbm>> -> memref<1x16xf32, #tpu.memory_space<hbm>>
        %dma_wait3A_790 = arith.constant 0 : i32
        %dma_wait3A_791 = tpu.memref_slice %arg6[%add3A_784, %dma_wait3A_790] : memref<400x16xf32, #tpu.memory_space<vmem>> -> memref<1x16xf32, #tpu.memory_space<vmem>>
        %dma_wait3A_792 = arith.constant 0 : i32
        %dma_wait3A_793 = arith.constant 0 : i32
        %dma_wait3A_794 = tpu.memref_slice %arg2[%dma_wait3A_792, %dma_wait3A_793] : memref<1000000x16xf32, #tpu.memory_space<hbm>> -> memref<1x16xf32, #tpu.memory_space<hbm>>
        tpu.wait_dma2 semaphore(%arg8 : memref<!tpu.dma_semaphore, #tpu.memory_space<semaphore_mem>>) src(%dma_wait3A_794 : memref<1x16xf32, #tpu.memory_space<hbm>>) dst(%dma_wait3A_791 : memref<1x16xf32, #tpu.memory_space<vmem>>)
        %mul3A_795 = arith.constant 16 : i32
        %mul3A_796 = arith.muli %sub3A_654, %mul3A_795 : i32
        %add3A_797 = arith.constant 10 : i32
        %add3A_798 = arith.addi %mul3A_796, %add3A_797 : i32
        %dma_wait3A_799 = arith.constant 0 : i32
        %dma_wait3A_800 = tpu.memref_slice %arg6[%add3A_798, %dma_wait3A_799] : memref<400x16xf32, #tpu.memory_space<vmem>> -> memref<1x16xf32, #tpu.memory_space<vmem>>
        %dma_wait3A_801 = arith.constant 0 : i32
        %dma_wait3A_802 = arith.constant 0 : i32
        %dma_wait3A_803 = tpu.memref_slice %arg2[%dma_wait3A_801, %dma_wait3A_802] : memref<1000000x16xf32, #tpu.memory_space<hbm>> -> memref<1x16xf32, #tpu.memory_space<hbm>>
        %dma_wait3A_804 = arith.constant 0 : i32
        %dma_wait3A_805 = tpu.memref_slice %arg6[%add3A_798, %dma_wait3A_804] : memref<400x16xf32, #tpu.memory_space<vmem>> -> memref<1x16xf32, #tpu.memory_space<vmem>>
        %dma_wait3A_806 = arith.constant 0 : i32
        %dma_wait3A_807 = arith.constant 0 : i32
        %dma_wait3A_808 = tpu.memref_slice %arg2[%dma_wait3A_806, %dma_wait3A_807] : memref<1000000x16xf32, #tpu.memory_space<hbm>> -> memref<1x16xf32, #tpu.memory_space<hbm>>
        tpu.wait_dma2 semaphore(%arg8 : memref<!tpu.dma_semaphore, #tpu.memory_space<semaphore_mem>>) src(%dma_wait3A_808 : memref<1x16xf32, #tpu.memory_space<hbm>>) dst(%dma_wait3A_805 : memref<1x16xf32, #tpu.memory_space<vmem>>)
        %mul3A_809 = arith.constant 16 : i32
        %mul3A_810 = arith.muli %sub3A_654, %mul3A_809 : i32
        %add3A_811 = arith.constant 11 : i32
        %add3A_812 = arith.addi %mul3A_810, %add3A_811 : i32
        %dma_wait3A_813 = arith.constant 0 : i32
        %dma_wait3A_814 = tpu.memref_slice %arg6[%add3A_812, %dma_wait3A_813] : memref<400x16xf32, #tpu.memory_space<vmem>> -> memref<1x16xf32, #tpu.memory_space<vmem>>
        %dma_wait3A_815 = arith.constant 0 : i32
        %dma_wait3A_816 = arith.constant 0 : i32
        %dma_wait3A_817 = tpu.memref_slice %arg2[%dma_wait3A_815, %dma_wait3A_816] : memref<1000000x16xf32, #tpu.memory_space<hbm>> -> memref<1x16xf32, #tpu.memory_space<hbm>>
        %dma_wait3A_818 = arith.constant 0 : i32
        %dma_wait3A_819 = tpu.memref_slice %arg6[%add3A_812, %dma_wait3A_818] : memref<400x16xf32, #tpu.memory_space<vmem>> -> memref<1x16xf32, #tpu.memory_space<vmem>>
        %dma_wait3A_820 = arith.constant 0 : i32
        %dma_wait3A_821 = arith.constant 0 : i32
        %dma_wait3A_822 = tpu.memref_slice %arg2[%dma_wait3A_820, %dma_wait3A_821] : memref<1000000x16xf32, #tpu.memory_space<hbm>> -> memref<1x16xf32, #tpu.memory_space<hbm>>
        tpu.wait_dma2 semaphore(%arg8 : memref<!tpu.dma_semaphore, #tpu.memory_space<semaphore_mem>>) src(%dma_wait3A_822 : memref<1x16xf32, #tpu.memory_space<hbm>>) dst(%dma_wait3A_819 : memref<1x16xf32, #tpu.memory_space<vmem>>)
        %mul3A_823 = arith.constant 16 : i32
        %mul3A_824 = arith.muli %sub3A_654, %mul3A_823 : i32
        %add3A_825 = arith.constant 12 : i32
        %add3A_826 = arith.addi %mul3A_824, %add3A_825 : i32
        %dma_wait3A_827 = arith.constant 0 : i32
        %dma_wait3A_828 = tpu.memref_slice %arg6[%add3A_826, %dma_wait3A_827] : memref<400x16xf32, #tpu.memory_space<vmem>> -> memref<1x16xf32, #tpu.memory_space<vmem>>
        %dma_wait3A_829 = arith.constant 0 : i32
        %dma_wait3A_830 = arith.constant 0 : i32
        %dma_wait3A_831 = tpu.memref_slice %arg2[%dma_wait3A_829, %dma_wait3A_830] : memref<1000000x16xf32, #tpu.memory_space<hbm>> -> memref<1x16xf32, #tpu.memory_space<hbm>>
        %dma_wait3A_832 = arith.constant 0 : i32
        %dma_wait3A_833 = tpu.memref_slice %arg6[%add3A_826, %dma_wait3A_832] : memref<400x16xf32, #tpu.memory_space<vmem>> -> memref<1x16xf32, #tpu.memory_space<vmem>>
        %dma_wait3A_834 = arith.constant 0 : i32
        %dma_wait3A_835 = arith.constant 0 : i32
        %dma_wait3A_836 = tpu.memref_slice %arg2[%dma_wait3A_834, %dma_wait3A_835] : memref<1000000x16xf32, #tpu.memory_space<hbm>> -> memref<1x16xf32, #tpu.memory_space<hbm>>
        tpu.wait_dma2 semaphore(%arg8 : memref<!tpu.dma_semaphore, #tpu.memory_space<semaphore_mem>>) src(%dma_wait3A_836 : memref<1x16xf32, #tpu.memory_space<hbm>>) dst(%dma_wait3A_833 : memref<1x16xf32, #tpu.memory_space<vmem>>)
        %mul3A_837 = arith.constant 16 : i32
        %mul3A_838 = arith.muli %sub3A_654, %mul3A_837 : i32
        %add3A_839 = arith.constant 13 : i32
        %add3A_840 = arith.addi %mul3A_838, %add3A_839 : i32
        %dma_wait3A_841 = arith.constant 0 : i32
        %dma_wait3A_842 = tpu.memref_slice %arg6[%add3A_840, %dma_wait3A_841] : memref<400x16xf32, #tpu.memory_space<vmem>> -> memref<1x16xf32, #tpu.memory_space<vmem>>
        %dma_wait3A_843 = arith.constant 0 : i32
        %dma_wait3A_844 = arith.constant 0 : i32
        %dma_wait3A_845 = tpu.memref_slice %arg2[%dma_wait3A_843, %dma_wait3A_844] : memref<1000000x16xf32, #tpu.memory_space<hbm>> -> memref<1x16xf32, #tpu.memory_space<hbm>>
        %dma_wait3A_846 = arith.constant 0 : i32
        %dma_wait3A_847 = tpu.memref_slice %arg6[%add3A_840, %dma_wait3A_846] : memref<400x16xf32, #tpu.memory_space<vmem>> -> memref<1x16xf32, #tpu.memory_space<vmem>>
        %dma_wait3A_848 = arith.constant 0 : i32
        %dma_wait3A_849 = arith.constant 0 : i32
        %dma_wait3A_850 = tpu.memref_slice %arg2[%dma_wait3A_848, %dma_wait3A_849] : memref<1000000x16xf32, #tpu.memory_space<hbm>> -> memref<1x16xf32, #tpu.memory_space<hbm>>
        tpu.wait_dma2 semaphore(%arg8 : memref<!tpu.dma_semaphore, #tpu.memory_space<semaphore_mem>>) src(%dma_wait3A_850 : memref<1x16xf32, #tpu.memory_space<hbm>>) dst(%dma_wait3A_847 : memref<1x16xf32, #tpu.memory_space<vmem>>)
        %mul3A_851 = arith.constant 16 : i32
        %mul3A_852 = arith.muli %sub3A_654, %mul3A_851 : i32
        %add3A_853 = arith.constant 14 : i32
        %add3A_854 = arith.addi %mul3A_852, %add3A_853 : i32
        %dma_wait3A_855 = arith.constant 0 : i32
        %dma_wait3A_856 = tpu.memref_slice %arg6[%add3A_854, %dma_wait3A_855] : memref<400x16xf32, #tpu.memory_space<vmem>> -> memref<1x16xf32, #tpu.memory_space<vmem>>
        %dma_wait3A_857 = arith.constant 0 : i32
        %dma_wait3A_858 = arith.constant 0 : i32
        %dma_wait3A_859 = tpu.memref_slice %arg2[%dma_wait3A_857, %dma_wait3A_858] : memref<1000000x16xf32, #tpu.memory_space<hbm>> -> memref<1x16xf32, #tpu.memory_space<hbm>>
        %dma_wait3A_860 = arith.constant 0 : i32
        %dma_wait3A_861 = tpu.memref_slice %arg6[%add3A_854, %dma_wait3A_860] : memref<400x16xf32, #tpu.memory_space<vmem>> -> memref<1x16xf32, #tpu.memory_space<vmem>>
        %dma_wait3A_862 = arith.constant 0 : i32
        %dma_wait3A_863 = arith.constant 0 : i32
        %dma_wait3A_864 = tpu.memref_slice %arg2[%dma_wait3A_862, %dma_wait3A_863] : memref<1000000x16xf32, #tpu.memory_space<hbm>> -> memref<1x16xf32, #tpu.memory_space<hbm>>
        tpu.wait_dma2 semaphore(%arg8 : memref<!tpu.dma_semaphore, #tpu.memory_space<semaphore_mem>>) src(%dma_wait3A_864 : memref<1x16xf32, #tpu.memory_space<hbm>>) dst(%dma_wait3A_861 : memref<1x16xf32, #tpu.memory_space<vmem>>)
        %mul3A_865 = arith.constant 16 : i32
        %mul3A_866 = arith.muli %sub3A_654, %mul3A_865 : i32
        %add3A_867 = arith.constant 15 : i32
        %add3A_868 = arith.addi %mul3A_866, %add3A_867 : i32
        %dma_wait3A_869 = arith.constant 0 : i32
        %dma_wait3A_870 = tpu.memref_slice %arg6[%add3A_868, %dma_wait3A_869] : memref<400x16xf32, #tpu.memory_space<vmem>> -> memref<1x16xf32, #tpu.memory_space<vmem>>
        %dma_wait3A_871 = arith.constant 0 : i32
        %dma_wait3A_872 = arith.constant 0 : i32
        %dma_wait3A_873 = tpu.memref_slice %arg2[%dma_wait3A_871, %dma_wait3A_872] : memref<1000000x16xf32, #tpu.memory_space<hbm>> -> memref<1x16xf32, #tpu.memory_space<hbm>>
        %dma_wait3A_874 = arith.constant 0 : i32
        %dma_wait3A_875 = tpu.memref_slice %arg6[%add3A_868, %dma_wait3A_874] : memref<400x16xf32, #tpu.memory_space<vmem>> -> memref<1x16xf32, #tpu.memory_space<vmem>>
        %dma_wait3A_876 = arith.constant 0 : i32
        %dma_wait3A_877 = arith.constant 0 : i32
        %dma_wait3A_878 = tpu.memref_slice %arg2[%dma_wait3A_876, %dma_wait3A_877] : memref<1000000x16xf32, #tpu.memory_space<hbm>> -> memref<1x16xf32, #tpu.memory_space<hbm>>
        tpu.wait_dma2 semaphore(%arg8 : memref<!tpu.dma_semaphore, #tpu.memory_space<semaphore_mem>>) src(%dma_wait3A_878 : memref<1x16xf32, #tpu.memory_space<hbm>>) dst(%dma_wait3A_875 : memref<1x16xf32, #tpu.memory_space<vmem>>)
        %scan3A_879 = arith.constant 0 : i32
        scf.yield %scan3A_879 : i32
      }
      %scan3A_215 = arith.constant 24 : i32
      %dma_wait3A_216 = arith.constant 384 : i32
      %dma_wait3A_217 = arith.constant 0 : i32
      %dma_wait3A_218 = tpu.memref_slice %arg6[%dma_wait3A_216, %dma_wait3A_217] : memref<400x16xf32, #tpu.memory_space<vmem>> -> memref<1x16xf32, #tpu.memory_space<vmem>>
      %dma_wait3A_219 = arith.constant 0 : i32
      %dma_wait3A_220 = arith.constant 0 : i32
      %dma_wait3A_221 = tpu.memref_slice %arg2[%dma_wait3A_219, %dma_wait3A_220] : memref<1000000x16xf32, #tpu.memory_space<hbm>> -> memref<1x16xf32, #tpu.memory_space<hbm>>
      %dma_wait3A_222 = arith.constant 384 : i32
      %dma_wait3A_223 = arith.constant 0 : i32
      %dma_wait3A_224 = tpu.memref_slice %arg6[%dma_wait3A_222, %dma_wait3A_223] : memref<400x16xf32, #tpu.memory_space<vmem>> -> memref<1x16xf32, #tpu.memory_space<vmem>>
      %dma_wait3A_225 = arith.constant 0 : i32
      %dma_wait3A_226 = arith.constant 0 : i32
      %dma_wait3A_227 = tpu.memref_slice %arg2[%dma_wait3A_225, %dma_wait3A_226] : memref<1000000x16xf32, #tpu.memory_space<hbm>> -> memref<1x16xf32, #tpu.memory_space<hbm>>
      tpu.wait_dma2 semaphore(%arg8 : memref<!tpu.dma_semaphore, #tpu.memory_space<semaphore_mem>>) src(%dma_wait3A_227 : memref<1x16xf32, #tpu.memory_space<hbm>>) dst(%dma_wait3A_224 : memref<1x16xf32, #tpu.memory_space<vmem>>)
      %dma_wait3A_228 = arith.constant 385 : i32
      %dma_wait3A_229 = arith.constant 0 : i32
      %dma_wait3A_230 = tpu.memref_slice %arg6[%dma_wait3A_228, %dma_wait3A_229] : memref<400x16xf32, #tpu.memory_space<vmem>> -> memref<1x16xf32, #tpu.memory_space<vmem>>
      %dma_wait3A_231 = arith.constant 0 : i32
      %dma_wait3A_232 = arith.constant 0 : i32
      %dma_wait3A_233 = tpu.memref_slice %arg2[%dma_wait3A_231, %dma_wait3A_232] : memref<1000000x16xf32, #tpu.memory_space<hbm>> -> memref<1x16xf32, #tpu.memory_space<hbm>>
      %dma_wait3A_234 = arith.constant 385 : i32
      %dma_wait3A_235 = arith.constant 0 : i32
      %dma_wait3A_236 = tpu.memref_slice %arg6[%dma_wait3A_234, %dma_wait3A_235] : memref<400x16xf32, #tpu.memory_space<vmem>> -> memref<1x16xf32, #tpu.memory_space<vmem>>
      %dma_wait3A_237 = arith.constant 0 : i32
      %dma_wait3A_238 = arith.constant 0 : i32
      %dma_wait3A_239 = tpu.memref_slice %arg2[%dma_wait3A_237, %dma_wait3A_238] : memref<1000000x16xf32, #tpu.memory_space<hbm>> -> memref<1x16xf32, #tpu.memory_space<hbm>>
      tpu.wait_dma2 semaphore(%arg8 : memref<!tpu.dma_semaphore, #tpu.memory_space<semaphore_mem>>) src(%dma_wait3A_239 : memref<1x16xf32, #tpu.memory_space<hbm>>) dst(%dma_wait3A_236 : memref<1x16xf32, #tpu.memory_space<vmem>>)
      %dma_wait3A_240 = arith.constant 386 : i32
      %dma_wait3A_241 = arith.constant 0 : i32
      %dma_wait3A_242 = tpu.memref_slice %arg6[%dma_wait3A_240, %dma_wait3A_241] : memref<400x16xf32, #tpu.memory_space<vmem>> -> memref<1x16xf32, #tpu.memory_space<vmem>>
      %dma_wait3A_243 = arith.constant 0 : i32
      %dma_wait3A_244 = arith.constant 0 : i32
      %dma_wait3A_245 = tpu.memref_slice %arg2[%dma_wait3A_243, %dma_wait3A_244] : memref<1000000x16xf32, #tpu.memory_space<hbm>> -> memref<1x16xf32, #tpu.memory_space<hbm>>
      %dma_wait3A_246 = arith.constant 386 : i32
      %dma_wait3A_247 = arith.constant 0 : i32
      %dma_wait3A_248 = tpu.memref_slice %arg6[%dma_wait3A_246, %dma_wait3A_247] : memref<400x16xf32, #tpu.memory_space<vmem>> -> memref<1x16xf32, #tpu.memory_space<vmem>>
      %dma_wait3A_249 = arith.constant 0 : i32
      %dma_wait3A_250 = arith.constant 0 : i32
      %dma_wait3A_251 = tpu.memref_slice %arg2[%dma_wait3A_249, %dma_wait3A_250] : memref<1000000x16xf32, #tpu.memory_space<hbm>> -> memref<1x16xf32, #tpu.memory_space<hbm>>
      tpu.wait_dma2 semaphore(%arg8 : memref<!tpu.dma_semaphore, #tpu.memory_space<semaphore_mem>>) src(%dma_wait3A_251 : memref<1x16xf32, #tpu.memory_space<hbm>>) dst(%dma_wait3A_248 : memref<1x16xf32, #tpu.memory_space<vmem>>)
      %dma_wait3A_252 = arith.constant 387 : i32
      %dma_wait3A_253 = arith.constant 0 : i32
      %dma_wait3A_254 = tpu.memref_slice %arg6[%dma_wait3A_252, %dma_wait3A_253] : memref<400x16xf32, #tpu.memory_space<vmem>> -> memref<1x16xf32, #tpu.memory_space<vmem>>
      %dma_wait3A_255 = arith.constant 0 : i32
      %dma_wait3A_256 = arith.constant 0 : i32
      %dma_wait3A_257 = tpu.memref_slice %arg2[%dma_wait3A_255, %dma_wait3A_256] : memref<1000000x16xf32, #tpu.memory_space<hbm>> -> memref<1x16xf32, #tpu.memory_space<hbm>>
      %dma_wait3A_258 = arith.constant 387 : i32
      %dma_wait3A_259 = arith.constant 0 : i32
      %dma_wait3A_260 = tpu.memref_slice %arg6[%dma_wait3A_258, %dma_wait3A_259] : memref<400x16xf32, #tpu.memory_space<vmem>> -> memref<1x16xf32, #tpu.memory_space<vmem>>
      %dma_wait3A_261 = arith.constant 0 : i32
      %dma_wait3A_262 = arith.constant 0 : i32
      %dma_wait3A_263 = tpu.memref_slice %arg2[%dma_wait3A_261, %dma_wait3A_262] : memref<1000000x16xf32, #tpu.memory_space<hbm>> -> memref<1x16xf32, #tpu.memory_space<hbm>>
      tpu.wait_dma2 semaphore(%arg8 : memref<!tpu.dma_semaphore, #tpu.memory_space<semaphore_mem>>) src(%dma_wait3A_263 : memref<1x16xf32, #tpu.memory_space<hbm>>) dst(%dma_wait3A_260 : memref<1x16xf32, #tpu.memory_space<vmem>>)
      %dma_wait3A_264 = arith.constant 388 : i32
      %dma_wait3A_265 = arith.constant 0 : i32
      %dma_wait3A_266 = tpu.memref_slice %arg6[%dma_wait3A_264, %dma_wait3A_265] : memref<400x16xf32, #tpu.memory_space<vmem>> -> memref<1x16xf32, #tpu.memory_space<vmem>>
      %dma_wait3A_267 = arith.constant 0 : i32
      %dma_wait3A_268 = arith.constant 0 : i32
      %dma_wait3A_269 = tpu.memref_slice %arg2[%dma_wait3A_267, %dma_wait3A_268] : memref<1000000x16xf32, #tpu.memory_space<hbm>> -> memref<1x16xf32, #tpu.memory_space<hbm>>
      %dma_wait3A_270 = arith.constant 388 : i32
      %dma_wait3A_271 = arith.constant 0 : i32
      %dma_wait3A_272 = tpu.memref_slice %arg6[%dma_wait3A_270, %dma_wait3A_271] : memref<400x16xf32, #tpu.memory_space<vmem>> -> memref<1x16xf32, #tpu.memory_space<vmem>>
      %dma_wait3A_273 = arith.constant 0 : i32
      %dma_wait3A_274 = arith.constant 0 : i32
      %dma_wait3A_275 = tpu.memref_slice %arg2[%dma_wait3A_273, %dma_wait3A_274] : memref<1000000x16xf32, #tpu.memory_space<hbm>> -> memref<1x16xf32, #tpu.memory_space<hbm>>
      tpu.wait_dma2 semaphore(%arg8 : memref<!tpu.dma_semaphore, #tpu.memory_space<semaphore_mem>>) src(%dma_wait3A_275 : memref<1x16xf32, #tpu.memory_space<hbm>>) dst(%dma_wait3A_272 : memref<1x16xf32, #tpu.memory_space<vmem>>)
      %dma_wait3A_276 = arith.constant 389 : i32
      %dma_wait3A_277 = arith.constant 0 : i32
      %dma_wait3A_278 = tpu.memref_slice %arg6[%dma_wait3A_276, %dma_wait3A_277] : memref<400x16xf32, #tpu.memory_space<vmem>> -> memref<1x16xf32, #tpu.memory_space<vmem>>
      %dma_wait3A_279 = arith.constant 0 : i32
      %dma_wait3A_280 = arith.constant 0 : i32
      %dma_wait3A_281 = tpu.memref_slice %arg2[%dma_wait3A_279, %dma_wait3A_280] : memref<1000000x16xf32, #tpu.memory_space<hbm>> -> memref<1x16xf32, #tpu.memory_space<hbm>>
      %dma_wait3A_282 = arith.constant 389 : i32
      %dma_wait3A_283 = arith.constant 0 : i32
      %dma_wait3A_284 = tpu.memref_slice %arg6[%dma_wait3A_282, %dma_wait3A_283] : memref<400x16xf32, #tpu.memory_space<vmem>> -> memref<1x16xf32, #tpu.memory_space<vmem>>
      %dma_wait3A_285 = arith.constant 0 : i32
      %dma_wait3A_286 = arith.constant 0 : i32
      %dma_wait3A_287 = tpu.memref_slice %arg2[%dma_wait3A_285, %dma_wait3A_286] : memref<1000000x16xf32, #tpu.memory_space<hbm>> -> memref<1x16xf32, #tpu.memory_space<hbm>>
      tpu.wait_dma2 semaphore(%arg8 : memref<!tpu.dma_semaphore, #tpu.memory_space<semaphore_mem>>) src(%dma_wait3A_287 : memref<1x16xf32, #tpu.memory_space<hbm>>) dst(%dma_wait3A_284 : memref<1x16xf32, #tpu.memory_space<vmem>>)
      %dma_wait3A_288 = arith.constant 390 : i32
      %dma_wait3A_289 = arith.constant 0 : i32
      %dma_wait3A_290 = tpu.memref_slice %arg6[%dma_wait3A_288, %dma_wait3A_289] : memref<400x16xf32, #tpu.memory_space<vmem>> -> memref<1x16xf32, #tpu.memory_space<vmem>>
      %dma_wait3A_291 = arith.constant 0 : i32
      %dma_wait3A_292 = arith.constant 0 : i32
      %dma_wait3A_293 = tpu.memref_slice %arg2[%dma_wait3A_291, %dma_wait3A_292] : memref<1000000x16xf32, #tpu.memory_space<hbm>> -> memref<1x16xf32, #tpu.memory_space<hbm>>
      %dma_wait3A_294 = arith.constant 390 : i32
      %dma_wait3A_295 = arith.constant 0 : i32
      %dma_wait3A_296 = tpu.memref_slice %arg6[%dma_wait3A_294, %dma_wait3A_295] : memref<400x16xf32, #tpu.memory_space<vmem>> -> memref<1x16xf32, #tpu.memory_space<vmem>>
      %dma_wait3A_297 = arith.constant 0 : i32
      %dma_wait3A_298 = arith.constant 0 : i32
      %dma_wait3A_299 = tpu.memref_slice %arg2[%dma_wait3A_297, %dma_wait3A_298] : memref<1000000x16xf32, #tpu.memory_space<hbm>> -> memref<1x16xf32, #tpu.memory_space<hbm>>
      tpu.wait_dma2 semaphore(%arg8 : memref<!tpu.dma_semaphore, #tpu.memory_space<semaphore_mem>>) src(%dma_wait3A_299 : memref<1x16xf32, #tpu.memory_space<hbm>>) dst(%dma_wait3A_296 : memref<1x16xf32, #tpu.memory_space<vmem>>)
      %dma_wait3A_300 = arith.constant 391 : i32
      %dma_wait3A_301 = arith.constant 0 : i32
      %dma_wait3A_302 = tpu.memref_slice %arg6[%dma_wait3A_300, %dma_wait3A_301] : memref<400x16xf32, #tpu.memory_space<vmem>> -> memref<1x16xf32, #tpu.memory_space<vmem>>
      %dma_wait3A_303 = arith.constant 0 : i32
      %dma_wait3A_304 = arith.constant 0 : i32
      %dma_wait3A_305 = tpu.memref_slice %arg2[%dma_wait3A_303, %dma_wait3A_304] : memref<1000000x16xf32, #tpu.memory_space<hbm>> -> memref<1x16xf32, #tpu.memory_space<hbm>>
      %dma_wait3A_306 = arith.constant 391 : i32
      %dma_wait3A_307 = arith.constant 0 : i32
      %dma_wait3A_308 = tpu.memref_slice %arg6[%dma_wait3A_306, %dma_wait3A_307] : memref<400x16xf32, #tpu.memory_space<vmem>> -> memref<1x16xf32, #tpu.memory_space<vmem>>
      %dma_wait3A_309 = arith.constant 0 : i32
      %dma_wait3A_310 = arith.constant 0 : i32
      %dma_wait3A_311 = tpu.memref_slice %arg2[%dma_wait3A_309, %dma_wait3A_310] : memref<1000000x16xf32, #tpu.memory_space<hbm>> -> memref<1x16xf32, #tpu.memory_space<hbm>>
      tpu.wait_dma2 semaphore(%arg8 : memref<!tpu.dma_semaphore, #tpu.memory_space<semaphore_mem>>) src(%dma_wait3A_311 : memref<1x16xf32, #tpu.memory_space<hbm>>) dst(%dma_wait3A_308 : memref<1x16xf32, #tpu.memory_space<vmem>>)
      %dma_wait3A_312 = arith.constant 392 : i32
      %dma_wait3A_313 = arith.constant 0 : i32
      %dma_wait3A_314 = tpu.memref_slice %arg6[%dma_wait3A_312, %dma_wait3A_313] : memref<400x16xf32, #tpu.memory_space<vmem>> -> memref<1x16xf32, #tpu.memory_space<vmem>>
      %dma_wait3A_315 = arith.constant 0 : i32
      %dma_wait3A_316 = arith.constant 0 : i32
      %dma_wait3A_317 = tpu.memref_slice %arg2[%dma_wait3A_315, %dma_wait3A_316] : memref<1000000x16xf32, #tpu.memory_space<hbm>> -> memref<1x16xf32, #tpu.memory_space<hbm>>
      %dma_wait3A_318 = arith.constant 392 : i32
      %dma_wait3A_319 = arith.constant 0 : i32
      %dma_wait3A_320 = tpu.memref_slice %arg6[%dma_wait3A_318, %dma_wait3A_319] : memref<400x16xf32, #tpu.memory_space<vmem>> -> memref<1x16xf32, #tpu.memory_space<vmem>>
      %dma_wait3A_321 = arith.constant 0 : i32
      %dma_wait3A_322 = arith.constant 0 : i32
      %dma_wait3A_323 = tpu.memref_slice %arg2[%dma_wait3A_321, %dma_wait3A_322] : memref<1000000x16xf32, #tpu.memory_space<hbm>> -> memref<1x16xf32, #tpu.memory_space<hbm>>
      tpu.wait_dma2 semaphore(%arg8 : memref<!tpu.dma_semaphore, #tpu.memory_space<semaphore_mem>>) src(%dma_wait3A_323 : memref<1x16xf32, #tpu.memory_space<hbm>>) dst(%dma_wait3A_320 : memref<1x16xf32, #tpu.memory_space<vmem>>)
      %dma_wait3A_324 = arith.constant 393 : i32
      %dma_wait3A_325 = arith.constant 0 : i32
      %dma_wait3A_326 = tpu.memref_slice %arg6[%dma_wait3A_324, %dma_wait3A_325] : memref<400x16xf32, #tpu.memory_space<vmem>> -> memref<1x16xf32, #tpu.memory_space<vmem>>
      %dma_wait3A_327 = arith.constant 0 : i32
      %dma_wait3A_328 = arith.constant 0 : i32
      %dma_wait3A_329 = tpu.memref_slice %arg2[%dma_wait3A_327, %dma_wait3A_328] : memref<1000000x16xf32, #tpu.memory_space<hbm>> -> memref<1x16xf32, #tpu.memory_space<hbm>>
      %dma_wait3A_330 = arith.constant 393 : i32
      %dma_wait3A_331 = arith.constant 0 : i32
      %dma_wait3A_332 = tpu.memref_slice %arg6[%dma_wait3A_330, %dma_wait3A_331] : memref<400x16xf32, #tpu.memory_space<vmem>> -> memref<1x16xf32, #tpu.memory_space<vmem>>
      %dma_wait3A_333 = arith.constant 0 : i32
      %dma_wait3A_334 = arith.constant 0 : i32
      %dma_wait3A_335 = tpu.memref_slice %arg2[%dma_wait3A_333, %dma_wait3A_334] : memref<1000000x16xf32, #tpu.memory_space<hbm>> -> memref<1x16xf32, #tpu.memory_space<hbm>>
      tpu.wait_dma2 semaphore(%arg8 : memref<!tpu.dma_semaphore, #tpu.memory_space<semaphore_mem>>) src(%dma_wait3A_335 : memref<1x16xf32, #tpu.memory_space<hbm>>) dst(%dma_wait3A_332 : memref<1x16xf32, #tpu.memory_space<vmem>>)
      %dma_wait3A_336 = arith.constant 394 : i32
      %dma_wait3A_337 = arith.constant 0 : i32
      %dma_wait3A_338 = tpu.memref_slice %arg6[%dma_wait3A_336, %dma_wait3A_337] : memref<400x16xf32, #tpu.memory_space<vmem>> -> memref<1x16xf32, #tpu.memory_space<vmem>>
      %dma_wait3A_339 = arith.constant 0 : i32
      %dma_wait3A_340 = arith.constant 0 : i32
      %dma_wait3A_341 = tpu.memref_slice %arg2[%dma_wait3A_339, %dma_wait3A_340] : memref<1000000x16xf32, #tpu.memory_space<hbm>> -> memref<1x16xf32, #tpu.memory_space<hbm>>
      %dma_wait3A_342 = arith.constant 394 : i32
      %dma_wait3A_343 = arith.constant 0 : i32
      %dma_wait3A_344 = tpu.memref_slice %arg6[%dma_wait3A_342, %dma_wait3A_343] : memref<400x16xf32, #tpu.memory_space<vmem>> -> memref<1x16xf32, #tpu.memory_space<vmem>>
      %dma_wait3A_345 = arith.constant 0 : i32
      %dma_wait3A_346 = arith.constant 0 : i32
      %dma_wait3A_347 = tpu.memref_slice %arg2[%dma_wait3A_345, %dma_wait3A_346] : memref<1000000x16xf32, #tpu.memory_space<hbm>> -> memref<1x16xf32, #tpu.memory_space<hbm>>
      tpu.wait_dma2 semaphore(%arg8 : memref<!tpu.dma_semaphore, #tpu.memory_space<semaphore_mem>>) src(%dma_wait3A_347 : memref<1x16xf32, #tpu.memory_space<hbm>>) dst(%dma_wait3A_344 : memref<1x16xf32, #tpu.memory_space<vmem>>)
      %dma_wait3A_348 = arith.constant 395 : i32
      %dma_wait3A_349 = arith.constant 0 : i32
      %dma_wait3A_350 = tpu.memref_slice %arg6[%dma_wait3A_348, %dma_wait3A_349] : memref<400x16xf32, #tpu.memory_space<vmem>> -> memref<1x16xf32, #tpu.memory_space<vmem>>
      %dma_wait3A_351 = arith.constant 0 : i32
      %dma_wait3A_352 = arith.constant 0 : i32
      %dma_wait3A_353 = tpu.memref_slice %arg2[%dma_wait3A_351, %dma_wait3A_352] : memref<1000000x16xf32, #tpu.memory_space<hbm>> -> memref<1x16xf32, #tpu.memory_space<hbm>>
      %dma_wait3A_354 = arith.constant 395 : i32
      %dma_wait3A_355 = arith.constant 0 : i32
      %dma_wait3A_356 = tpu.memref_slice %arg6[%dma_wait3A_354, %dma_wait3A_355] : memref<400x16xf32, #tpu.memory_space<vmem>> -> memref<1x16xf32, #tpu.memory_space<vmem>>
      %dma_wait3A_357 = arith.constant 0 : i32
      %dma_wait3A_358 = arith.constant 0 : i32
      %dma_wait3A_359 = tpu.memref_slice %arg2[%dma_wait3A_357, %dma_wait3A_358] : memref<1000000x16xf32, #tpu.memory_space<hbm>> -> memref<1x16xf32, #tpu.memory_space<hbm>>
      tpu.wait_dma2 semaphore(%arg8 : memref<!tpu.dma_semaphore, #tpu.memory_space<semaphore_mem>>) src(%dma_wait3A_359 : memref<1x16xf32, #tpu.memory_space<hbm>>) dst(%dma_wait3A_356 : memref<1x16xf32, #tpu.memory_space<vmem>>)
      %dma_wait3A_360 = arith.constant 396 : i32
      %dma_wait3A_361 = arith.constant 0 : i32
      %dma_wait3A_362 = tpu.memref_slice %arg6[%dma_wait3A_360, %dma_wait3A_361] : memref<400x16xf32, #tpu.memory_space<vmem>> -> memref<1x16xf32, #tpu.memory_space<vmem>>
      %dma_wait3A_363 = arith.constant 0 : i32
      %dma_wait3A_364 = arith.constant 0 : i32
      %dma_wait3A_365 = tpu.memref_slice %arg2[%dma_wait3A_363, %dma_wait3A_364] : memref<1000000x16xf32, #tpu.memory_space<hbm>> -> memref<1x16xf32, #tpu.memory_space<hbm>>
      %dma_wait3A_366 = arith.constant 396 : i32
      %dma_wait3A_367 = arith.constant 0 : i32
      %dma_wait3A_368 = tpu.memref_slice %arg6[%dma_wait3A_366, %dma_wait3A_367] : memref<400x16xf32, #tpu.memory_space<vmem>> -> memref<1x16xf32, #tpu.memory_space<vmem>>
      %dma_wait3A_369 = arith.constant 0 : i32
      %dma_wait3A_370 = arith.constant 0 : i32
      %dma_wait3A_371 = tpu.memref_slice %arg2[%dma_wait3A_369, %dma_wait3A_370] : memref<1000000x16xf32, #tpu.memory_space<hbm>> -> memref<1x16xf32, #tpu.memory_space<hbm>>
      tpu.wait_dma2 semaphore(%arg8 : memref<!tpu.dma_semaphore, #tpu.memory_space<semaphore_mem>>) src(%dma_wait3A_371 : memref<1x16xf32, #tpu.memory_space<hbm>>) dst(%dma_wait3A_368 : memref<1x16xf32, #tpu.memory_space<vmem>>)
      %dma_wait3A_372 = arith.constant 397 : i32
      %dma_wait3A_373 = arith.constant 0 : i32
      %dma_wait3A_374 = tpu.memref_slice %arg6[%dma_wait3A_372, %dma_wait3A_373] : memref<400x16xf32, #tpu.memory_space<vmem>> -> memref<1x16xf32, #tpu.memory_space<vmem>>
      %dma_wait3A_375 = arith.constant 0 : i32
      %dma_wait3A_376 = arith.constant 0 : i32
      %dma_wait3A_377 = tpu.memref_slice %arg2[%dma_wait3A_375, %dma_wait3A_376] : memref<1000000x16xf32, #tpu.memory_space<hbm>> -> memref<1x16xf32, #tpu.memory_space<hbm>>
      %dma_wait3A_378 = arith.constant 397 : i32
      %dma_wait3A_379 = arith.constant 0 : i32
      %dma_wait3A_380 = tpu.memref_slice %arg6[%dma_wait3A_378, %dma_wait3A_379] : memref<400x16xf32, #tpu.memory_space<vmem>> -> memref<1x16xf32, #tpu.memory_space<vmem>>
      %dma_wait3A_381 = arith.constant 0 : i32
      %dma_wait3A_382 = arith.constant 0 : i32
      %dma_wait3A_383 = tpu.memref_slice %arg2[%dma_wait3A_381, %dma_wait3A_382] : memref<1000000x16xf32, #tpu.memory_space<hbm>> -> memref<1x16xf32, #tpu.memory_space<hbm>>
      tpu.wait_dma2 semaphore(%arg8 : memref<!tpu.dma_semaphore, #tpu.memory_space<semaphore_mem>>) src(%dma_wait3A_383 : memref<1x16xf32, #tpu.memory_space<hbm>>) dst(%dma_wait3A_380 : memref<1x16xf32, #tpu.memory_space<vmem>>)
      %dma_wait3A_384 = arith.constant 398 : i32
      %dma_wait3A_385 = arith.constant 0 : i32
      %dma_wait3A_386 = tpu.memref_slice %arg6[%dma_wait3A_384, %dma_wait3A_385] : memref<400x16xf32, #tpu.memory_space<vmem>> -> memref<1x16xf32, #tpu.memory_space<vmem>>
      %dma_wait3A_387 = arith.constant 0 : i32
      %dma_wait3A_388 = arith.constant 0 : i32
      %dma_wait3A_389 = tpu.memref_slice %arg2[%dma_wait3A_387, %dma_wait3A_388] : memref<1000000x16xf32, #tpu.memory_space<hbm>> -> memref<1x16xf32, #tpu.memory_space<hbm>>
      %dma_wait3A_390 = arith.constant 398 : i32
      %dma_wait3A_391 = arith.constant 0 : i32
      %dma_wait3A_392 = tpu.memref_slice %arg6[%dma_wait3A_390, %dma_wait3A_391] : memref<400x16xf32, #tpu.memory_space<vmem>> -> memref<1x16xf32, #tpu.memory_space<vmem>>
      %dma_wait3A_393 = arith.constant 0 : i32
      %dma_wait3A_394 = arith.constant 0 : i32
      %dma_wait3A_395 = tpu.memref_slice %arg2[%dma_wait3A_393, %dma_wait3A_394] : memref<1000000x16xf32, #tpu.memory_space<hbm>> -> memref<1x16xf32, #tpu.memory_space<hbm>>
      tpu.wait_dma2 semaphore(%arg8 : memref<!tpu.dma_semaphore, #tpu.memory_space<semaphore_mem>>) src(%dma_wait3A_395 : memref<1x16xf32, #tpu.memory_space<hbm>>) dst(%dma_wait3A_392 : memref<1x16xf32, #tpu.memory_space<vmem>>)
      %dma_wait3A_396 = arith.constant 399 : i32
      %dma_wait3A_397 = arith.constant 0 : i32
      %dma_wait3A_398 = tpu.memref_slice %arg6[%dma_wait3A_396, %dma_wait3A_397] : memref<400x16xf32, #tpu.memory_space<vmem>> -> memref<1x16xf32, #tpu.memory_space<vmem>>
      %dma_wait3A_399 = arith.constant 0 : i32
      %dma_wait3A_400 = arith.constant 0 : i32
      %dma_wait3A_401 = tpu.memref_slice %arg2[%dma_wait3A_399, %dma_wait3A_400] : memref<1000000x16xf32, #tpu.memory_space<hbm>> -> memref<1x16xf32, #tpu.memory_space<hbm>>
      %dma_wait3A_402 = arith.constant 399 : i32
      %dma_wait3A_403 = arith.constant 0 : i32
      %dma_wait3A_404 = tpu.memref_slice %arg6[%dma_wait3A_402, %dma_wait3A_403] : memref<400x16xf32, #tpu.memory_space<vmem>> -> memref<1x16xf32, #tpu.memory_space<vmem>>
      %dma_wait3A_405 = arith.constant 0 : i32
      %dma_wait3A_406 = arith.constant 0 : i32
      %dma_wait3A_407 = tpu.memref_slice %arg2[%dma_wait3A_405, %dma_wait3A_406] : memref<1000000x16xf32, #tpu.memory_space<hbm>> -> memref<1x16xf32, #tpu.memory_space<hbm>>
      tpu.wait_dma2 semaphore(%arg8 : memref<!tpu.dma_semaphore, #tpu.memory_space<semaphore_mem>>) src(%dma_wait3A_407 : memref<1x16xf32, #tpu.memory_space<hbm>>) dst(%dma_wait3A_404 : memref<1x16xf32, #tpu.memory_space<vmem>>)
      %mul3A_408 = arith.constant 400 : i32
      %mul3A_409 = arith.muli %scan3A_11, %mul3A_408 : i32
      %add3A_410 = arith.addi %mul3A_2, %mul3A_409 : i32
      %dma_start3A_411 = arith.constant 0 : i32
      %dma_start3A_412 = tpu.memref_slice %arg4[%add3A_410, %dma_start3A_411] : memref<51200x16xf32, #tpu.memory_space<hbm>> -> memref<400x16xf32, #tpu.memory_space<hbm>>
      %dma_start3A_413 = arith.constant 0 : i32
      %dma_start3A_414 = tpu.memref_slice %arg4[%add3A_410, %dma_start3A_413] : memref<51200x16xf32, #tpu.memory_space<hbm>> -> memref<400x16xf32, #tpu.memory_space<hbm>>
      tpu.enqueue_dma source(%arg6 : memref<400x16xf32, #tpu.memory_space<vmem>>) target(%dma_start3A_414 : memref<400x16xf32, #tpu.memory_space<hbm>>) target_semaphore(%arg7 : memref<!tpu.dma_semaphore, #tpu.memory_space<semaphore_mem>>)
      %dma_wait3A_415 = arith.constant 0 : i32
      %dma_wait3A_416 = tpu.memref_slice %arg4[%add3A_410, %dma_wait3A_415] : memref<51200x16xf32, #tpu.memory_space<hbm>> -> memref<400x16xf32, #tpu.memory_space<hbm>>
      %dma_wait3A_417 = arith.constant 0 : i32
      %dma_wait3A_418 = tpu.memref_slice %arg4[%add3A_410, %dma_wait3A_417] : memref<51200x16xf32, #tpu.memory_space<hbm>> -> memref<400x16xf32, #tpu.memory_space<hbm>>
      tpu.wait_dma2 semaphore(%arg7 : memref<!tpu.dma_semaphore, #tpu.memory_space<semaphore_mem>>) src(%arg6 : memref<400x16xf32, #tpu.memory_space<vmem>>) dst(%dma_wait3A_418 : memref<400x16xf32, #tpu.memory_space<hbm>>)
      %scan3A_419 = arith.constant 0 : i32
      scf.yield %scan3A_419 : i32
    }
    %scan3A_10 = arith.constant 4 : i32
    return
  }
}

module attributes {stable_mosaic.version = 14 : i64} {
  func.func @_crf_body(%arg0: memref<51200x16xf32, #tpu.memory_space<vmem>>, %arg1: memref<50x1024xi32, #tpu.memory_space<vmem>>, %arg2: memref<16x16xf32, #tpu.memory_space<vmem>>, %arg3: memref<16x1xf32, #tpu.memory_space<vmem>>, %arg4: memref<16x16xf32, #tpu.memory_space<vmem>>, %arg5: memref<16x16xf32, #tpu.memory_space<vmem>>, %arg6: memref<1x1xf32, #tpu.memory_space<vmem>>) attributes {dimension_semantics = [], scalar_prefetch = 0 : i64, scratch_operands = 0 : i64, tpu.core_type = #tpu.core_type<tc>} {
    %get3A = arith.constant 0 : index
    %get3A_0 = arith.constant 0 : index
    %get3A_1 = vector.load %arg2[%get3A, %get3A_0] : memref<16x16xf32, #tpu.memory_space<vmem>>, vector<16x16xf32>
    %get3A_2 = arith.constant 0 : index
    %get3A_3 = arith.constant 0 : index
    %get3A_4 = vector.load %arg3[%get3A_2, %get3A_3] : memref<16x1xf32, #tpu.memory_space<vmem>>, vector<16x1xf32>
    %get3A_5 = arith.constant 0 : index
    %get3A_6 = arith.constant 0 : index
    %get3A_7 = vector.load %arg4[%get3A_5, %get3A_6] : memref<16x16xf32, #tpu.memory_space<vmem>>, vector<16x16xf32>
    %get3A_8 = arith.constant 0 : index
    %get3A_9 = arith.constant 0 : index
    %get3A_10 = vector.load %arg5[%get3A_8, %get3A_9] : memref<16x16xf32, #tpu.memory_space<vmem>>, vector<16x16xf32>
    %exp3A = math.exp %get3A_10 : vector<16x16xf32>
    %iota3A = tpu.iota {dimensions = array<i32: 0>} : vector<16x1024xi32>
    %slice3A = vector.extract_strided_slice %get3A_10 {offsets = [0, 0], sizes = [16, 1], strides = [1, 1]} : vector<16x16xf32> to vector<16x1xf32>
    %slice3A_11 = vector.extract_strided_slice %get3A_7 {offsets = [0, 1], sizes = [16, 1], strides = [1, 1]} : vector<16x16xf32> to vector<16x1xf32>
    %get3A_12 = arith.constant 0 : index
    %get3A_13 = arith.constant 0 : index
    %get3A_14 = vector.load %arg0[%get3A_12, %get3A_13] : memref<51200x16xf32, #tpu.memory_space<vmem>>, vector<1024x16xf32>
    %dot_general3A = arith.constant dense<0.000000e+00> : vector<16x1024xf32>
    %dot_general3A_15 = tpu.matmul %get3A_1, %get3A_14, %dot_general3A {dimension_numbers = #tpu.dot_dimension_numbers<[1], [1], [0], [0], [0, 0, 1, 0], [], []>, transpose_lhs_hint = false} : vector<16x16xf32>, vector<1024x16xf32>, vector<16x1024xf32> -> vector<16x1024xf32>
    %add3A = vector.broadcast %get3A_4 : vector<16x1xf32> to vector<16x1024xf32>
    %add3A_16 = arith.addf %dot_general3A_15, %add3A : vector<16x1024xf32>
    %get3A_17 = arith.constant 0 : index
    %get3A_18 = arith.constant 0 : index
    %get3A_19 = vector.load %arg1[%get3A_17, %get3A_18] : memref<50x1024xi32, #tpu.memory_space<vmem>>, vector<1x1024xi32>
    %eq3A = vector.broadcast %get3A_19 : vector<1x1024xi32> to vector<16x1024xi32>
    %eq3A_20 = arith.cmpi eq, %iota3A, %eq3A : vector<16x1024xi32>
    %convert_element_type3A = arith.extui %eq3A_20 : vector<16x1024xi1> to vector<16x1024xi32>
    %convert_element_type3A_21 = arith.sitofp %convert_element_type3A : vector<16x1024xi32> to vector<16x1024xf32>
    %add3A_22 = vector.broadcast %slice3A : vector<16x1xf32> to vector<16x1024xf32>
    %add3A_23 = arith.addf %add3A_22, %add3A_16 : vector<16x1024xf32>
    %add3A_24 = vector.broadcast %slice3A : vector<16x1xf32> to vector<16x1024xf32>
    %add3A_25 = arith.addf %add3A_16, %add3A_24 : vector<16x1024xf32>
    %mul3A = arith.mulf %convert_element_type3A_21, %add3A_25 : vector<16x1024xf32>
    %scan3A = arith.constant 1 : i32
    %scan3A_26 = arith.constant 49 : i32
    %scan3A_27 = arith.addi %scan3A, %scan3A_26 : i32
    %scan3A_28 = arith.constant 1 : i32
    %scan3A_29:3 = scf.for %scan3A_55 = %scan3A to %scan3A_27 step %scan3A_28 iter_args(%scan3A_56 = %add3A_23, %scan3A_57 = %mul3A, %scan3A_58 = %convert_element_type3A_21) -> (vector<16x1024xf32>, vector<16x1024xf32>, vector<16x1024xf32>)  : i32 {
      %mul3A_59 = arith.constant 1024 : i32
      %mul3A_60 = arith.muli %scan3A_55, %mul3A_59 : i32
      %get3A_61 = arith.index_cast %mul3A_60 : i32 to index
      %get3A_62 = arith.constant 0 : index
      %get3A_63 = vector.load %arg0[%get3A_61, %get3A_62] : memref<51200x16xf32, #tpu.memory_space<vmem>>, vector<1024x16xf32>
      %dot_general3A_64 = arith.constant dense<0.000000e+00> : vector<16x1024xf32>
      %dot_general3A_65 = tpu.matmul %get3A_1, %get3A_63, %dot_general3A_64 {dimension_numbers = #tpu.dot_dimension_numbers<[1], [1], [0], [0], [0, 0, 1, 0], [], []>, transpose_lhs_hint = false} : vector<16x16xf32>, vector<1024x16xf32>, vector<16x1024xf32> -> vector<16x1024xf32>
      %add3A_66 = vector.broadcast %get3A_4 : vector<16x1xf32> to vector<16x1024xf32>
      %add3A_67 = arith.addf %dot_general3A_65, %add3A_66 : vector<16x1024xf32>
      %get3A_68 = arith.index_cast %scan3A_55 : i32 to index
      %get3A_69 = arith.constant 0 : index
      %get3A_70 = vector.load %arg1[%get3A_68, %get3A_69] : memref<50x1024xi32, #tpu.memory_space<vmem>>, vector<1x1024xi32>
      %eq3A_71 = vector.broadcast %get3A_70 : vector<1x1024xi32> to vector<16x1024xi32>
      %eq3A_72 = arith.cmpi eq, %iota3A, %eq3A_71 : vector<16x1024xi32>
      %convert_element_type3A_73 = arith.extui %eq3A_72 : vector<16x1024xi1> to vector<16x1024xi32>
      %convert_element_type3A_74 = arith.sitofp %convert_element_type3A_73 : vector<16x1024xi32> to vector<16x1024xf32>
      %reduce_max3A_75 = arith.constant dense<0xFF800000> : vector<1024xf32>
      %reduce_max3A_76 = vector.multi_reduction <maximumf>, %scan3A_56, %reduce_max3A_75 [0] : vector<16x1024xf32> to vector<1024xf32>
      %broadcast_in_dim3A_77 = vector.shape_cast %reduce_max3A_76 : vector<1024xf32> to vector<1x1024xf32>
      %sub3A_78 = vector.broadcast %broadcast_in_dim3A_77 : vector<1x1024xf32> to vector<16x1024xf32>
      %sub3A_79 = arith.subf %scan3A_56, %sub3A_78 : vector<16x1024xf32>
      %exp3A_80 = math.exp %sub3A_79 : vector<16x1024xf32>
      %dot_general3A_81 = arith.constant dense<0.000000e+00> : vector<16x1024xf32>
      %dot_general3A_82 = tpu.matmul %exp3A, %exp3A_80, %dot_general3A_81 {dimension_numbers = #tpu.dot_dimension_numbers<[1], [0], [0], [1], [0, 0, 1, 1], [], []>, transpose_lhs_hint = false} : vector<16x16xf32>, vector<16x1024xf32>, vector<16x1024xf32> -> vector<16x1024xf32>
      %add3A_83 = vector.broadcast %broadcast_in_dim3A_77 : vector<1x1024xf32> to vector<16x1024xf32>
      %add3A_84 = arith.addf %add3A_67, %add3A_83 : vector<16x1024xf32>
      %log3A_85 = math.log %dot_general3A_82 : vector<16x1024xf32>
      %add3A_86 = arith.addf %add3A_84, %log3A_85 : vector<16x1024xf32>
      %dot_general3A_87 = arith.constant dense<0.000000e+00> : vector<16x1024xf32>
      %dot_general3A_88 = tpu.matmul %get3A_10, %scan3A_58, %dot_general3A_87 {dimension_numbers = #tpu.dot_dimension_numbers<[1], [0], [0], [1], [0, 0, 1, 1], [], []>, precision = #tpu.contract_precision<fp32>, transpose_lhs_hint = false} : vector<16x16xf32>, vector<16x1024xf32>, vector<16x1024xf32> -> vector<16x1024xf32>
      %add3A_89 = arith.addf %add3A_67, %dot_general3A_88 : vector<16x1024xf32>
      %mul3A_90 = arith.mulf %convert_element_type3A_74, %add3A_89 : vector<16x1024xf32>
      %add3A_91 = arith.addf %scan3A_57, %mul3A_90 : vector<16x1024xf32>
      scf.yield %add3A_86, %add3A_91, %convert_element_type3A_74 : vector<16x1024xf32>, vector<16x1024xf32>, vector<16x1024xf32>
    }
    %scan3A_30 = arith.constant 49 : i32
    %mul3A_31 = vector.broadcast %slice3A_11 : vector<16x1xf32> to vector<16x1024xf32>
    %mul3A_32 = arith.mulf %scan3A_29#2, %mul3A_31 : vector<16x1024xf32>
    %add3A_33 = arith.addf %scan3A_29#1, %mul3A_32 : vector<16x1024xf32>
    %add3A_34 = vector.broadcast %slice3A_11 : vector<16x1xf32> to vector<16x1024xf32>
    %add3A_35 = arith.addf %scan3A_29#0, %add3A_34 : vector<16x1024xf32>
    %reduce_max3A = arith.constant dense<0xFF800000> : vector<1024xf32>
    %reduce_max3A_36 = vector.multi_reduction <maximumf>, %add3A_35, %reduce_max3A [0] : vector<16x1024xf32> to vector<1024xf32>
    %broadcast_in_dim3A = vector.shape_cast %reduce_max3A_36 : vector<1024xf32> to vector<1x1024xf32>
    %sub3A = vector.broadcast %broadcast_in_dim3A : vector<1x1024xf32> to vector<16x1024xf32>
    %sub3A_37 = arith.subf %add3A_35, %sub3A : vector<16x1024xf32>
    %exp3A_38 = math.exp %sub3A_37 : vector<16x1024xf32>
    %reduce_sum3A = arith.constant dense<0.000000e+00> : vector<1024xf32>
    %reduce_sum3A_39 = vector.multi_reduction <add>, %exp3A_38, %reduce_sum3A [0] : vector<16x1024xf32> to vector<1024xf32>
    %broadcast_in_dim3A_40 = vector.shape_cast %reduce_sum3A_39 : vector<1024xf32> to vector<1x1024xf32>
    %log3A = math.log %broadcast_in_dim3A_40 : vector<1x1024xf32>
    %add3A_41 = arith.addf %broadcast_in_dim3A, %log3A : vector<1x1024xf32>
    %reduce_sum3A_42 = vector.shape_cast %add3A_41 : vector<1x1024xf32> to vector<1x1x1024xf32>
    %reduce_sum3A_43 = arith.constant dense<0.000000e+00> : vector<1xf32>
    %reduce_sum3A_44 = vector.multi_reduction <add>, %reduce_sum3A_42, %reduce_sum3A_43 [1, 2] : vector<1x1x1024xf32> to vector<1xf32>
    %reduce_sum3A_45 = vector.shape_cast %reduce_sum3A_44 : vector<1xf32> to vector<1x1x1xf32>
    %reduce_sum3A_46 = vector.extract %reduce_sum3A_45[0, 0, 0] : f32 from vector<1x1x1xf32>
    %reduce_sum3A_47 = vector.shape_cast %add3A_33 : vector<16x1024xf32> to vector<1x16x1024xf32>
    %reduce_sum3A_48 = arith.constant dense<0.000000e+00> : vector<1xf32>
    %reduce_sum3A_49 = vector.multi_reduction <add>, %reduce_sum3A_47, %reduce_sum3A_48 [1, 2] : vector<1x16x1024xf32> to vector<1xf32>
    %reduce_sum3A_50 = vector.shape_cast %reduce_sum3A_49 : vector<1xf32> to vector<1x1x1xf32>
    %reduce_sum3A_51 = vector.extract %reduce_sum3A_50[0, 0, 0] : f32 from vector<1x1x1xf32>
    %sub3A_52 = arith.subf %reduce_sum3A_46, %reduce_sum3A_51 : f32
    %reshape3A = vector.broadcast %sub3A_52 : f32 to vector<1x1xf32>
    %swap3A = arith.constant 0 : index
    %swap3A_53 = arith.constant 0 : index
    %swap3A_54 = vector.load %arg6[%swap3A, %swap3A_53] : memref<1x1xf32, #tpu.memory_space<vmem>>, vector<1x1xf32>
    tpu.vector_store %arg6[%swap3A, %swap3A_53], %reshape3A {strides = array<i32>} : memref<1x1xf32, #tpu.memory_space<vmem>>, vector<1x1xf32>,
    return
  }
}

</mosaic_0001>

<sc_bundles>
// kernel: kernel.4.cloned.1.call-start
scs
__scs_entry_jumppad:
0x0: {  	(pc) =	sbr.rel $0x88, $3  }
0x1: {  	(tag) =	ssettag $0x0;
	lr =	simm.s32 $0x1  }
0x2: {  	[smem:$0x3F9B] =	sst lr;
	_ =	strace $0xD0000000  }
0x3: {  	_ = 	snop  }
0x4: {  	_ = 	snop  }
0x5: {  	_ = 	snop  }
0x6: {  	_ = 	snop  }
0x7: {  	_ = 	snop  }
__scs_overlays_trampoline_lowered:
0x8: {  	[smem:$0x3FAA] =	sst s0  }
0x9: {  	[smem:$0x3FAB] =	sst s1  }
0xa: {  	[smem:$0x3FAC] =	sst s2  }
0xb: {  	[smem:$0x3FAD] =	sst s3  }
0xc: {  	[smem:$0x3FAE] =	sst s4  }
0xd: {  	[smem:$0x3FAF] =	sst s5  }
0xe: {  	[smem:$0x3FB0] =	sst s6  }
0xf: {  	[smem:$0x3FB1] =	sst s7  }
0x10: {  	[smem:$0x3FB2] =	sst s8  }
0x11: {  	[smem:$0x3FB3] =	sst s9;
	s0 =	simm.s32 @!p0 $0x0  }
0x12: {  	s1 =	sld [smem:$0x3F99];
	s0 =	simm.s32 @p0 $0x1  }
0x13: {  	[smem:$0x3FB4] =	sst s0;
	s0 =	simm.s32 @!p1 $0x0  }
0x14: {  	s2 =	sld [smem:$0x3F98];
	s0 =	simm.s32 @p1 $0x1  }
0x15: {  	[smem:$0x3FB5] =	sst s0;
	s0 =	simm.s32 @!p2 $0x0  }
0x16: {  	s3 =	sld [smem:$0x3FDB];
	s0 =	simm.s32 @p2 $0x1  }
0x17: {  	s4 =	simm.s32 $0x1BF5;
	[smem:$0x3FB7] =	sst s0  }
0x18: {  	s0 =	sld [smem:$0x3F9A];
	_ =	swait.ge [sflag:s4], $0x0  }
0x19: {  	s7 =	sld [smem:$0x3F9B]  }
0x1a: {  	s8 =	sadd.s32 $0xFFFFE003, lr  }
0x1b: {  	s9 =	sadd.s32 $0xFFFFFEF7, lr;
	s5 =	simm.s32 $0xFFFFFFFF;
	p2 =	slt.u32 s8, $0xFFFFF086  }
0x1c: {  	p1 =	slt.u32 s9, $0xF7A;
	s5 =	simm.s32 @!p2 $0x0  }
0x1d: {  	s5 =	simm.s32 @p1 $0x1;
	p0 =	seq.s32 s7, s2  }
0x1e: {  	s7 =	smul.u32 @!p0 $0xF7A, s2;
	p2 =	seq.s32 @!p0 s5, $0x0  }
0x1f: {  	s9 =	smul.u32 $0xF7A, s1;
	s8 =	simm.s32 @!p0 $0x1BF5;
	p2 =	por !p2, p0  }
0x20: {  	[sflag:s8] =	ssyncset.s32 @!p0 $0xFFFFF086;
	s6 =	sadd.s32 @!p0 s3, s7;
	s7 =	simm.s32 @!p0 $0x108  }
0x21: {  	s3 =	sadd.s32 s3, s9;
	s6 =	sadd.s32 @!p0 $0x88, s6;
	s7 =	simm.s32 @p2 $0x1082  }
0x22: {  	[simem:s7], [sflag:s8] =	dma.local @!p0 [hbm:s6], $0xF7A  }
0x23: {  	s9 =	sor.u32 $0xD0000000, s2;
	s6 =	simm.s32 $0x108;
	_ =	swait.ge @!p0 [sflag:s8], $0x0  }
0x24: {  	s3 =	sadd.s32 $0x88, s3;
	s6 =	simm.s32 @!p1 $0x1082;
	[sflag:s4] =	ssyncset.s32 $0xFFFFF086  }
0x25: {  	[simem:s6], [sflag:s4] =	dma.local [hbm:s3], $0xF7A  }
0x26: {  	[smem:$0x3F9B] =	sst s1;
	(tag) =	ssettag s2;
	_ =	strace s9  }
0x27: {  	s1 =	sld [smem:$0x3FAB]  }
0x28: {  	s2 =	sld [smem:$0x3FAC]  }
0x29: {  	s4 =	sld [smem:$0x3FAE]  }
0x2a: {  	p0 =	seq.s32 s5, $0x0;
	s5 =	sld [smem:$0x3FAF]  }
0x2b: {  	s6 =	sld [smem:$0x3FB0]  }
0x2c: {  	s7 =	sld [smem:$0x3FB1]  }
0x2d: {  	s3 =	simm.s32 $0x108;
	s8 =	sld [smem:$0x3FB2]  }
0x2e: {  	s3 =	simm.s32 @!p0 $0x1082;
	s9 =	sld [smem:$0x3FB3]  }
0x2f: {  	lr =	sadd.s32 s0, s3;
	s0 =	sld [smem:$0x3FAA]  }
0x30: {  	s3 =	sld [smem:$0x3FAD]  }
0x31: {  	[smem:$0x3FB6] =	sst s10  }
0x32: {  	s10 =	sld [smem:$0x3FB4];
	_ =	sdelay $0x3  }
0x33: {  	p0 =	seq.s32 s10, $0x1;
	s10 =	sld [smem:$0x3FB6];
	_ =	sdelay $0x3  }
0x34: {  	[smem:$0x3FB6] =	sst s10  }
0x35: {  	s10 =	sld [smem:$0x3FB5];
	_ =	sdelay $0x3  }
0x36: {  	p1 =	seq.s32 s10, $0x1;
	s10 =	sld [smem:$0x3FB6];
	_ =	sdelay $0x3  }
0x37: {  	[smem:$0x3FB6] =	sst s10  }
0x38: {  	s10 =	sld [smem:$0x3FB7]  }
0x39: {  	_ = 	snop;
	(pc) =	sbr.ind lr, $3  }
0x3a: {  	_ = 	snop  }
0x3b: {  	_ = 	snop  }
0x3c: {  	p2 =	seq.s32 s10, $0x1;
	s10 =	sld [smem:$0x3FB6]  }
0x3d: {  	_ =	shalt  }
0x3e: {  	_ =	shalt  }
0x3f: {  	_ =	shalt  }
0x40: {  	_ =	shalt  }
0x41: {  	_ =	shalt  }
0x42: {  	_ =	shalt  }
0x43: {  	_ =	shalt  }
0x44: {  	_ =	shalt  }
0x45: {  	_ =	shalt  }
0x46: {  	_ =	shalt  }
0x47: {  	_ =	shalt  }
0x48: {  	_ =	shalt  }
0x49: {  	_ =	shalt  }
0x4a: {  	_ =	shalt  }
0x4b: {  	_ =	shalt  }
0x4c: {  	_ =	shalt  }
0x4d: {  	_ =	shalt  }
0x4e: {  	_ =	shalt  }
0x4f: {  	_ =	shalt  }
0x50: {  	_ =	shalt  }
0x51: {  	_ =	shalt  }
0x52: {  	_ =	shalt  }
0x53: {  	_ =	shalt  }
0x54: {  	_ =	shalt  }
0x55: {  	_ =	shalt  }
0x56: {  	_ =	shalt  }
0x57: {  	_ =	shalt  }
0x58: {  	_ =	shalt  }
0x59: {  	_ =	shalt  }
0x5a: {  	_ =	shalt  }
0x5b: {  	_ =	shalt  }
0x5c: {  	_ =	shalt  }
0x5d: {  	_ =	shalt  }
0x5e: {  	_ =	shalt  }
0x5f: {  	_ =	shalt  }
0x60: {  	_ =	shalt  }
0x61: {  	_ =	shalt  }
0x62: {  	_ =	shalt  }
0x63: {  	_ =	shalt  }
0x64: {  	_ =	shalt  }
0x65: {  	_ =	shalt  }
0x66: {  	_ =	shalt  }
0x67: {  	_ =	shalt  }
0x68: {  	_ =	shalt  }
0x69: {  	_ =	shalt  }
0x6a: {  	_ =	shalt  }
0x6b: {  	_ =	shalt  }
0x6c: {  	_ =	shalt  }
0x6d: {  	_ =	shalt  }
0x6e: {  	_ =	shalt  }
0x6f: {  	_ =	shalt  }
0x70: {  	_ =	shalt  }
0x71: {  	_ =	shalt  }
0x72: {  	_ =	shalt  }
0x73: {  	_ =	shalt  }
0x74: {  	_ =	shalt  }
0x75: {  	_ =	shalt  }
0x76: {  	_ =	shalt  }
0x77: {  	_ =	shalt  }
0x78: {  	_ =	shalt  }
0x79: {  	_ =	shalt  }
0x7a: {  	_ =	shalt  }
0x7b: {  	_ =	shalt  }
0x7c: {  	_ =	shalt  }
0x7d: {  	_ =	shalt  }
0x7e: {  	_ =	shalt  }
0x7f: {  	_ =	shalt  }
0x80: {  	_ =	shalt  }
0x81: {  	_ =	shalt  }
0x82: {  	_ =	shalt  }
0x83: {  	_ =	shalt  }
0x84: {  	_ =	shalt  }
0x85: {  	_ =	shalt  }
0x86: {  	_ =	shalt  }
0x87: {  	_ =	shalt  }
.Lfunc_end0:
.L_simem_size_0:
called_computation_lowered:
.L_overlay_start_0:
0x88: {  	s2 =	sld [smem:$0x3FD9]  }
0x89: {  	s3 =	sld [smem:$0x3FFE];
	_ =	sdelay $0x1  }
0x8a: {  	s1 =	srdreg.scid  }
0x8b: {  	s0 =	sand.u32 $0x1, s1  }
0x8c: {  	s16 =	sshll.u32 s0, $0xA;
	s2 =	sadd.s32 s3, s2  }
0x8d: {  	s2 =	sadd.s32 s2, s16  }
0x8e: {  	[smem:$0x3FC2] =	sst s2  }
0x8f: {  	_ = 	snop  }
0x90: {  	(tm) =	ssettm $0x1  }
0x91: {  	s17 =	sld [smem:$0x3FFB];
	_ =	sdelay $0x3  }
0x92: {  	_ =	strace s17  }
0x93: {  	s2 =	sld [smem:$0x3FFC];
	_ =	sdelay $0x3  }
0x94: {  	_ =	strace s2  }
0x95: {  	s2 =	sld [smem:$0x3FFD];
	_ =	sdelay $0x3  }
0x96: {  	_ =	strace s2  }
0x97: {  	_ =	strace $0x8FFFFFFF  }
0x98: {  	s18 =	sld [smem:$0x3FDB];
	_ =	sdelay $0x1  }
0x99: {  	s19 =	simm.s32 $_scs_section_size  }
0x9a: {  	s4 =	simm.s32 $_size__tile_overlayer_lowered;
	s5 =	simm.s32 $_tile_overlayer_lowered  }
0x9b: {  	s22 =	simm.s32 $0x1BFF;
	s21 =	sshll.u32 s5, $0x1;
	s2 =	sadd.s32 s19, s18  }
0x9c: {  	s6 =	simm.s32 $0x0;
	s20 =	sshll.u32 s4, $0x1;
	s4 =	sadd.s32 s21, s2  }
0x9d: {  	[timem:s6], [sflag:s22] =	dma.local [hbm:s4], s20  }
0x9e: {  	_ =	swait.ge [sflag:s22], s20  }
0x9f: {  	s3 =	ssub.s32 $0x0, s20;
	[sflag:s22] =	ssyncset.done $0x0  }
0xa0: {  	[sflag:s22] =	ssyncadd.s32 s3;
	_ =	sdelay $0x1  }
0xa1: {  	s23 =	simm.s32 $0x1B8B  }
0xa2: {  	_ =	swait.ge [sflag:s23], $0x1  }
0xa3: {  	[sflag:s23] =	ssyncset.done $0x0  }
0xa4: {  	s25 =	simm.s32 $0x1B8E;
	s24 =	sld [smem:$0x3FFE];
	[sflag:s23] =	ssyncadd.s32 $0xFFFFFFFF  }
0xa5: {  	s26 =	simm.s32 $execute0_lowered;
	[smem:$0x3FD2] =	sst s25  }
0xa6: {  	s4 =	sshll.u32 s26, $0x1;
	_ =	strace $0x80000046;
	[dreg:$0x1] =	wrdreg $0xFFFFFFFF  }
0xa7: {  	s28 =	simm.s32 $_size_execute0_lowered;
	s2 =	sadd.s32 s2, s4;
	[dreg:$0x0] =	wrdreg $0x0  }
0xa8: {  	s4 =	sshll.u32 s28, $0x1;
	[dreg:$0x2] =	wrdreg s2  }
0xa9: {  	[dreg:$0x3] =	wrdreg s4  }
0xaa: {  	[dreg:$0x4] =	wrdreg $0xC0  }
0xab: {  	_ =	task [dreg:s6], $0x5FFFF  }
0xac: {  	[dreg:$0x1] =	wrdreg $0xFFFFFFFF  }
0xad: {  	[dreg:$0x0] =	wrdreg $0x60  }
0xae: {  	[dreg:$0x2] =	wrdreg s24  }
0xaf: {  	[dreg:$0x3] =	wrdreg $0x9  }
0xb0: {  	_ =	task.clear_ibuf [dreg:s6], $0x4FFFF;
	_ =	strace $0x90000046  }
0xb1: {  	s29 =	simm.s32 $0x9;
	_ =	strace $0x80000048  }
0xb2: {  	_ =	swait.ge [sflag:s29], $0x1  }
0xb3: {  	[sflag:s29] =	ssyncadd.s32 $0xFFFFFFFF  }
0xb4: {  	_ =	strace $0x90000048  }
0xb5: {  	_ =	sfence  }
0xb6: {  	s30 =	sld [smem:$0x0];
	_ =	sdelay $0x2  }
0xb7: {  	s31 =	sshll.u32 s1, $0xD;
	s1 =	sshrl.u32 s1, $0x2  }
0xb8: {  	s3 =	sand.u32 $0x4000, s31;
	s1 =	sadd.s32 s1, s30  }
0xb9: {  	s0 =	sor.u32 s3, s0;
	s1 =	sshll.u32 s1, $0x11  }
0xba: {  	s0 =	sor.u32 s1, s0  }
0xbb: {  	s0 =	sadd.s32 $0x8F2B, s0  }
0xbc: {  	[sflag:s0] =	ssyncadd.remote.s32 $0x1  }
0xbd: {  	_ =	sfence.sel $0xFFFF  }
0xbe: {  	[dreg:$0x0] =	wrdreg $0xFFFFFFFF;
	(pc) =	sbr.abs _section_cstart, $3  }
0xbf: {  	[dreg:$0x1] =	wrdreg $0xFFFFFFFF  }
0xc0: {  	_ =	task.clear_ibuf [dreg:s6], $0x2FFFF;
	_ =	strace $0x9FFFFFFF  }
0xc1: {  	(tm) =	ssettm $0x7FFFFFFF  }
tec
execute0_lowered:
.L_overlay_start_1:
0x0: {  	(tag) =	ssettag $0x1  }
0x1: {  	s0 =	srdreg.scid;
	s2 =	stileid.u32  }
0x2: {  	s0 =	sand.u32 $0x1, s0;
	s3 =	sshll.u32 s2, $0x1  }
0x3: {  	s1 =	rddreg [dreg:$0x0];
	s8 =	simm.s32 $0x1;
	s3 =	sor.u32 s0, s3  }
0x4: {  	s9 =	simm.s32 $0x680;
	s0 =	ssub.s32 $0x2, s0;
	s3 =	smul.u32 $0x640, s3  }
0x5: {  	s25 =	simm.s32 $0x2;
	s2 =	simm.s32 $0x0;
	s6 =	sshrl.u32 s0, $0x1  }
0x6: {  	s4 =	sadd.s32 $0xE00, s1;
	s0 =	ssub.s32 s0, s6;
	s5 =	sshrl.u32 s3, $0x3  }
0x7: {  	[smem:$0x7FF] =	sst s2;
	s0 =	smax.u32 s0, $0x1;
	s7 =	sadd.s32 s5, s1  }
0x8: {  	_ =	strace $0x80000047;
	[dreg:$0x3] =	wrdreg s0;
	s31 =	sadd.s32 $0xF43200, s7  }
0x9: {  	s5 =	sadd.s32 $0xF44C00, s1;
	s1 =	simm.s32 $0x0;
	[dreg:$0x2] =	wrdreg s31  }
.LBB2_1:
0xa: {  	[dreg:$0x4] =	wrdreg s1  }
0xb: {  	s0 =	rddreg [dreg:$0x2]  }
0xc: {  	[tilespmem:s2], [sflag:$0x1] =	stream.linear.gather [hbm4b:s0+s2], $0x640, $0x38;
	[tilespmem:$0xCE80] =	vst v63  }
0xd: {  	_ =	swait.ge [sflag:s8], $0x640  }
0xe: {  	[sflag:s8] =	ssyncset.done $0x0  }
0xf: {  	s1 =	simm.s32 $0x10;
	s29 =	simm.s32 $0x0;
	[sflag:s8] =	ssyncadd.s32 $0xFFFFF9C0  }
.LBB2_2:
0x10: {  	s30 =	smul.u32 $0x190, s29;
	_ =	sdelay $0x1  }
0x11: {  	v0 =	vld [tilespmem:s30+$0x0];
	_ =	sdelay $0x4  }
0x12: {  	v0 =	vshll.u32 v0, $0x4  }
0x13: {  	(v2sf) =	vpush v0, $0x0;
	_ =	sdelay $0x1  }
0x14: {  	(v2sf) =	vpush v0, $0x1;
	_ =	sdelay $0x1  }
0x15: {  	(v2sf) =	vpush v0, $0x2;
	_ =	sdelay $0x2  }
0x16: {  	(v2sf) =	vpush v0, $0x3;
	_ =	sdelay $0x7  }
0x17: {  	s0 =	spop (v2sf);
	(v2sf) =	vpush v0, $0x4;
	_ =	sdelay $0x1  }
0x18: {  	s15 =	spop (v2sf);
	(v2sf) =	vpush v0, $0x5;
	_ =	sdelay $0x1  }
0x19: {  	s16 =	spop (v2sf);
	(v2sf) =	vpush v0, $0x6;
	_ =	sdelay $0x1  }
0x1a: {  	s0 =	sand.u32 $0x1FFFFFF0, s0  }
0x1b: {  	s6 =	sadd.s32 s4, s0;
	s0 =	simm.s32 $0x0;
	s18 =	spop (v2sf);
	(v2sf) =	vpush v0, $0x7  }
0x1c: {  	[tilespmem:s9], [sflag:$0x2] =	stream.linear.gather [hbm4b:s6+s0], $0x80, $0x38;
	[tilespmem:$0xCE80] =	vst v63  }
0x1d: {  	s6 =	sand.u32 $0x1FFFFFF0, s15  }
0x1e: {  	s7 =	simm.s32 $0x700;
	s6 =	sadd.s32 s4, s6  }
0x1f: {  	[tilespmem:s7], [sflag:$0x2] =	stream.linear.gather [hbm4b:s6+s0], $0x80, $0x38;
	[tilespmem:$0xCE80] =	vst v63  }
0x20: {  	s6 =	sand.u32 $0x1FFFFFF0, s16  }
0x21: {  	s17 =	simm.s32 $0x780;
	s6 =	sadd.s32 s4, s6  }
0x22: {  	[tilespmem:s17], [sflag:$0x2] =	stream.linear.gather [hbm4b:s6+s0], $0x80, $0x38;
	[tilespmem:$0xCE80] =	vst v63  }
0x23: {  	s20 =	spop (v2sf);
	(v2sf) =	vpush v0, $0x8  }
0x24: {  	s6 =	sand.u32 $0x1FFFFFF0, s18  }
0x25: {  	s19 =	simm.s32 $0x800;
	s6 =	sadd.s32 s4, s6;
	s22 =	spop (v2sf);
	(v2sf) =	vpush v0, $0x9  }
0x26: {  	[tilespmem:s19], [sflag:$0x2] =	stream.linear.gather [hbm4b:s6+s0], $0x80, $0x38;
	[tilespmem:$0xCE80] =	vst v63  }
0x27: {  	s6 =	sand.u32 $0x1FFFFFF0, s20;
	s24 =	spop (v2sf);
	(v2sf) =	vpush v0, $0xA  }
0x28: {  	s21 =	simm.s32 $0x880;
	s6 =	sadd.s32 s4, s6  }
0x29: {  	[tilespmem:s21], [sflag:$0x2] =	stream.linear.gather [hbm4b:s6+s0], $0x80, $0x38;
	[tilespmem:$0xCE80] =	vst v63  }
0x2a: {  	s10 =	spop (v2sf);
	(v2sf) =	vpush v0, $0xB  }
0x2b: {  	s6 =	sand.u32 $0x1FFFFFF0, s22  }
0x2c: {  	s23 =	simm.s32 $0x900;
	s6 =	sadd.s32 s4, s6  }
0x2d: {  	[tilespmem:s23], [sflag:$0x2] =	stream.linear.gather [hbm4b:s6+s0], $0x80, $0x38;
	[tilespmem:$0xCE80] =	vst v63  }
0x2e: {  	s6 =	sand.u32 $0x1FFFFFF0, s24  }
0x2f: {  	s26 =	simm.s32 $0x980;
	s6 =	sadd.s32 s4, s6  }
0x30: {  	[tilespmem:s26], [sflag:$0x2] =	stream.linear.gather [hbm4b:s6+s0], $0x80, $0x38;
	[tilespmem:$0xCE80] =	vst v63  }
0x31: {  	s6 =	sand.u32 $0x1FFFFFF0, s10  }
0x32: {  	s11 =	simm.s32 $0xA00;
	s6 =	sadd.s32 s4, s6;
	s12 =	spop (v2sf);
	(v2sf) =	vpush v0, $0xC  }
0x33: {  	[tilespmem:s11], [sflag:$0x2] =	stream.linear.gather [hbm4b:s6+s0], $0x80, $0x38;
	[tilespmem:$0xCE80] =	vst v63  }
0x34: {  	s14 =	spop (v2sf);
	(v2sf) =	vpush v0, $0xD  }
0x35: {  	s6 =	sand.u32 $0x1FFFFFF0, s12  }
0x36: {  	s13 =	simm.s32 $0xA80;
	s6 =	sadd.s32 s4, s6;
	s16 =	spop (v2sf)  }
0x37: {  	(v2sf) =	vpush v0, $0xE;
	[tilespmem:s13], [sflag:$0x2] =	stream.linear.gather [hbm4b:s6+s0], $0x80, $0x38;
	[tilespmem:$0xCE80] =	vst v63  }
0x38: {  	s6 =	sand.u32 $0x1FFFFFF0, s14  }
0x39: {  	s15 =	simm.s32 $0xB00;
	s18 =	spop (v2sf);
	s6 =	sadd.s32 s4, s6  }
0x3a: {  	(v2sf) =	vpush v0, $0xF;
	[tilespmem:s15], [sflag:$0x2] =	stream.linear.gather [hbm4b:s6+s0], $0x80, $0x38;
	[tilespmem:$0xCE80] =	vst v63  }
0x3b: {  	s6 =	sand.u32 $0x1FFFFFF0, s16  }
0x3c: {  	s17 =	simm.s32 $0xB80;
	s6 =	sadd.s32 s4, s6  }
0x3d: {  	[tilespmem:s17], [sflag:$0x2] =	stream.linear.gather [hbm4b:s6+s0], $0x80, $0x38;
	[tilespmem:$0xCE80] =	vst v63  }
0x3e: {  	s6 =	sand.u32 $0x1FFFFFF0, s18  }
0x3f: {  	s19 =	simm.s32 $0xC00;
	s6 =	sadd.s32 s4, s6  }
0x40: {  	[tilespmem:s19], [sflag:$0x2] =	stream.linear.gather [hbm4b:s6+s0], $0x80, $0x38;
	[tilespmem:$0xCE80] =	vst v63  }
0x41: {  	s20 =	spop (v2sf)  }
0x42: {  	s6 =	sand.u32 $0x1FFFFFF0, s20  }
0x43: {  	s21 =	simm.s32 $0xC80;
	s22 =	spop (v2sf);
	s6 =	sadd.s32 s4, s6  }
0x44: {  	[tilespmem:s21], [sflag:$0x2] =	stream.linear.gather [hbm4b:s6+s0], $0x80, $0x38;
	[tilespmem:$0xCE80] =	vst v63  }
0x45: {  	s6 =	sand.u32 $0x1FFFFFF0, s22  }
0x46: {  	s23 =	simm.s32 $0xD00;
	s24 =	spop (v2sf);
	s6 =	sadd.s32 s4, s6  }
0x47: {  	[tilespmem:s23], [sflag:$0x2] =	stream.linear.gather [hbm4b:s6+s0], $0x80, $0x38;
	[tilespmem:$0xCE80] =	vst v63  }
0x48: {  	s6 =	sand.u32 $0x1FFFFFF0, s24  }
0x49: {  	s26 =	simm.s32 $0xD80;
	s10 =	spop (v2sf);
	s6 =	sadd.s32 s4, s6  }
0x4a: {  	[tilespmem:s26], [sflag:$0x2] =	stream.linear.gather [hbm4b:s6+s0], $0x80, $0x38;
	[tilespmem:$0xCE80] =	vst v63  }
0x4b: {  	s6 =	sand.u32 $0x1FFFFFF0, s10  }
0x4c: {  	s11 =	simm.s32 $0xE00;
	s6 =	sadd.s32 s4, s6  }
0x4d: {  	[tilespmem:s11], [sflag:$0x2] =	stream.linear.gather [hbm4b:s6+s0], $0x80, $0x38;
	[tilespmem:$0xCE80] =	vst v63  }
0x4e: {  	v63 =	vld [tilespmem:s1+$0x0];
	_ =	sdelay $0x4  }
0x4f: {  	v0 =	vshll.u32 v63, $0x4  }
0x50: {  	(v2sf) =	vpush v0, $0x0;
	_ =	sdelay $0x1  }
0x51: {  	(v2sf) =	vpush v0, $0x1;
	_ =	sdelay $0x1  }
0x52: {  	(v2sf) =	vpush v0, $0x2;
	_ =	sdelay $0x2  }
0x53: {  	(v2sf) =	vpush v0, $0x3;
	_ =	sdelay $0x7  }
0x54: {  	s12 =	spop (v2sf);
	(v2sf) =	vpush v0, $0x4;
	_ =	sdelay $0x1  }
0x55: {  	s14 =	spop (v2sf);
	(v2sf) =	vpush v0, $0x5;
	_ =	sdelay $0x1  }
0x56: {  	s16 =	spop (v2sf);
	(v2sf) =	vpush v0, $0x6;
	_ =	sdelay $0x1  }
0x57: {  	s0 =	sand.u32 $0x1FFFFFF0, s12  }
0x58: {  	s13 =	simm.s32 $0xE80;
	s0 =	sadd.s32 s4, s0;
	s18 =	spop (v2sf);
	(v2sf) =	vpush v0, $0x7  }
0x59: {  	[tilespmem:s13], [sflag:$0x2] =	stream.linear.gather [hbm4b:s0+s2], $0x80, $0x38;
	[tilespmem:$0xCE80] =	vst v63  }
0x5a: {  	s0 =	sand.u32 $0x1FFFFFF0, s14  }
0x5b: {  	s15 =	simm.s32 $0xF00;
	s0 =	sadd.s32 s4, s0  }
0x5c: {  	[tilespmem:s15], [sflag:$0x2] =	stream.linear.gather [hbm4b:s0+s2], $0x80, $0x38;
	[tilespmem:$0xCE80] =	vst v63  }
0x5d: {  	s0 =	sand.u32 $0x1FFFFFF0, s16  }
0x5e: {  	s17 =	simm.s32 $0xF80;
	s0 =	sadd.s32 s4, s0  }
0x5f: {  	[tilespmem:s17], [sflag:$0x2] =	stream.linear.gather [hbm4b:s0+s2], $0x80, $0x38;
	[tilespmem:$0xCE80] =	vst v63  }
0x60: {  	s20 =	spop (v2sf);
	(v2sf) =	vpush v0, $0x8  }
0x61: {  	s0 =	sand.u32 $0x1FFFFFF0, s18  }
0x62: {  	s19 =	simm.s32 $0x1000;
	s0 =	sadd.s32 s4, s0;
	s22 =	spop (v2sf);
	(v2sf) =	vpush v0, $0x9  }
0x63: {  	[tilespmem:s19], [sflag:$0x2] =	stream.linear.gather [hbm4b:s0+s2], $0x80, $0x38;
	[tilespmem:$0xCE80] =	vst v63  }
0x64: {  	s0 =	sand.u32 $0x1FFFFFF0, s20;
	s24 =	spop (v2sf);
	(v2sf) =	vpush v0, $0xA  }
0x65: {  	s21 =	simm.s32 $0x1080;
	s0 =	sadd.s32 s4, s0  }
0x66: {  	[tilespmem:s21], [sflag:$0x2] =	stream.linear.gather [hbm4b:s0+s2], $0x80, $0x38;
	[tilespmem:$0xCE80] =	vst v63  }
0x67: {  	s6 =	spop (v2sf);
	(v2sf) =	vpush v0, $0xB  }
0x68: {  	s0 =	sand.u32 $0x1FFFFFF0, s22  }
0x69: {  	s23 =	simm.s32 $0x1100;
	s0 =	sadd.s32 s4, s0  }
0x6a: {  	[tilespmem:s23], [sflag:$0x2] =	stream.linear.gather [hbm4b:s0+s2], $0x80, $0x38;
	[tilespmem:$0xCE80] =	vst v63  }
0x6b: {  	s0 =	sand.u32 $0x1FFFFFF0, s24  }
0x6c: {  	s26 =	simm.s32 $0x1180;
	s0 =	sadd.s32 s4, s0  }
0x6d: {  	[tilespmem:s26], [sflag:$0x2] =	stream.linear.gather [hbm4b:s0+s2], $0x80, $0x38;
	[tilespmem:$0xCE80] =	vst v63  }
0x6e: {  	s0 =	sand.u32 $0x1FFFFFF0, s6  }
0x6f: {  	s7 =	simm.s32 $0x1200;
	s0 =	sadd.s32 s4, s0;
	s10 =	spop (v2sf);
	(v2sf) =	vpush v0, $0xC  }
0x70: {  	[tilespmem:s7], [sflag:$0x2] =	stream.linear.gather [hbm4b:s0+s2], $0x80, $0x38;
	[tilespmem:$0xCE80] =	vst v63  }
0x71: {  	s12 =	spop (v2sf);
	(v2sf) =	vpush v0, $0xD  }
0x72: {  	s0 =	sand.u32 $0x1FFFFFF0, s10  }
0x73: {  	s11 =	simm.s32 $0x1280;
	s0 =	sadd.s32 s4, s0;
	s14 =	spop (v2sf)  }
0x74: {  	(v2sf) =	vpush v0, $0xE;
	[tilespmem:s11], [sflag:$0x2] =	stream.linear.gather [hbm4b:s0+s2], $0x80, $0x38;
	[tilespmem:$0xCE80] =	vst v63  }
0x75: {  	s0 =	sand.u32 $0x1FFFFFF0, s12  }
0x76: {  	s13 =	simm.s32 $0x1300;
	s16 =	spop (v2sf);
	s0 =	sadd.s32 s4, s0  }
0x77: {  	(v2sf) =	vpush v0, $0xF;
	[tilespmem:s13], [sflag:$0x2] =	stream.linear.gather [hbm4b:s0+s2], $0x80, $0x38;
	[tilespmem:$0xCE80] =	vst v63  }
0x78: {  	s0 =	sand.u32 $0x1FFFFFF0, s14  }
0x79: {  	s15 =	simm.s32 $0x1380;
	s0 =	sadd.s32 s4, s0  }
0x7a: {  	[tilespmem:s15], [sflag:$0x2] =	stream.linear.gather [hbm4b:s0+s2], $0x80, $0x38;
	[tilespmem:$0xCE80] =	vst v63  }
0x7b: {  	s0 =	sand.u32 $0x1FFFFFF0, s16  }
0x7c: {  	s17 =	simm.s32 $0x1400;
	s0 =	sadd.s32 s4, s0  }
0x7d: {  	[tilespmem:s17], [sflag:$0x2] =	stream.linear.gather [hbm4b:s0+s2], $0x80, $0x38;
	[tilespmem:$0xCE80] =	vst v63  }
0x7e: {  	s18 =	spop (v2sf)  }
0x7f: {  	s0 =	sand.u32 $0x1FFFFFF0, s18  }
0x80: {  	s19 =	simm.s32 $0x1480;
	s20 =	spop (v2sf);
	s0 =	sadd.s32 s4, s0  }
0x81: {  	[tilespmem:s19], [sflag:$0x2] =	stream.linear.gather [hbm4b:s0+s2], $0x80, $0x38;
	[tilespmem:$0xCE80] =	vst v63  }
0x82: {  	s0 =	sand.u32 $0x1FFFFFF0, s20  }
0x83: {  	s21 =	simm.s32 $0x1500;
	s22 =	spop (v2sf);
	s0 =	sadd.s32 s4, s0  }
0x84: {  	[tilespmem:s21], [sflag:$0x2] =	stream.linear.gather [hbm4b:s0+s2], $0x80, $0x38;
	[tilespmem:$0xCE80] =	vst v63  }
0x85: {  	s0 =	sand.u32 $0x1FFFFFF0, s22  }
0x86: {  	s23 =	simm.s32 $0x1580;
	s24 =	spop (v2sf);
	s0 =	sadd.s32 s4, s0  }
0x87: {  	[tilespmem:s23], [sflag:$0x2] =	stream.linear.gather [hbm4b:s0+s2], $0x80, $0x38;
	[tilespmem:$0xCE80] =	vst v63  }
0x88: {  	s0 =	sand.u32 $0x1FFFFFF0, s24  }
0x89: {  	s26 =	simm.s32 $0x1600;
	s0 =	sadd.s32 s4, s0  }
0x8a: {  	[tilespmem:s26], [sflag:$0x2] =	stream.linear.gather [hbm4b:s0+s2], $0x80, $0x38;
	[tilespmem:$0xCE80] =	vst v63  }
0x8b: {  	_ =	swait.ge [sflag:s25], $0x80  }
0x8c: {  	[sflag:s25] =	ssyncset.done $0x0  }
0x8d: {  	[sflag:s25] =	ssyncadd.s32 $0xFFFFFF80  }
0x8e: {  	_ =	swait.ge [sflag:s25], $0x80  }
0x8f: {  	[sflag:s25] =	ssyncset.done $0x0  }
0x90: {  	[sflag:s25] =	ssyncadd.s32 $0xFFFFFF80  }
0x91: {  	_ =	swait.ge [sflag:s25], $0x80  }
0x92: {  	[sflag:s25] =	ssyncset.done $0x0  }
0x93: {  	[sflag:s25] =	ssyncadd.s32 $0xFFFFFF80  }
0x94: {  	_ =	swait.ge [sflag:s25], $0x80  }
0x95: {  	[sflag:s25] =	ssyncset.done $0x0  }
0x96: {  	[sflag:s25] =	ssyncadd.s32 $0xFFFFFF80  }
0x97: {  	_ =	swait.ge [sflag:s25], $0x80  }
0x98: {  	[sflag:s25] =	ssyncset.done $0x0  }
0x99: {  	[sflag:s25] =	ssyncadd.s32 $0xFFFFFF80  }
0x9a: {  	_ =	swait.ge [sflag:s25], $0x80  }
0x9b: {  	[sflag:s25] =	ssyncset.done $0x0  }
0x9c: {  	[sflag:s25] =	ssyncadd.s32 $0xFFFFFF80  }
0x9d: {  	_ =	swait.ge [sflag:s25], $0x80  }
0x9e: {  	[sflag:s25] =	ssyncset.done $0x0  }
0x9f: {  	[sflag:s25] =	ssyncadd.s32 $0xFFFFFF80  }
0xa0: {  	_ =	swait.ge [sflag:s25], $0x80  }
0xa1: {  	[sflag:s25] =	ssyncset.done $0x0  }
0xa2: {  	[sflag:s25] =	ssyncadd.s32 $0xFFFFFF80  }
0xa3: {  	_ =	swait.ge [sflag:s25], $0x80  }
0xa4: {  	[sflag:s25] =	ssyncset.done $0x0  }
0xa5: {  	[sflag:s25] =	ssyncadd.s32 $0xFFFFFF80  }
0xa6: {  	_ =	swait.ge [sflag:s25], $0x80  }
0xa7: {  	[sflag:s25] =	ssyncset.done $0x0  }
0xa8: {  	[sflag:s25] =	ssyncadd.s32 $0xFFFFFF80  }
0xa9: {  	_ =	swait.ge [sflag:s25], $0x80  }
0xaa: {  	[sflag:s25] =	ssyncset.done $0x0  }
0xab: {  	[sflag:s25] =	ssyncadd.s32 $0xFFFFFF80  }
0xac: {  	_ =	swait.ge [sflag:s25], $0x80  }
0xad: {  	[sflag:s25] =	ssyncset.done $0x0  }
0xae: {  	[sflag:s25] =	ssyncadd.s32 $0xFFFFFF80  }
0xaf: {  	_ =	swait.ge [sflag:s25], $0x80  }
0xb0: {  	[sflag:s25] =	ssyncset.done $0x0  }
0xb1: {  	[sflag:s25] =	ssyncadd.s32 $0xFFFFFF80  }
0xb2: {  	s31 =	simm.s32 $0x2000;
	s28 =	smov.u32 s1;
	_ =	swait.ge [sflag:s25], $0x80  }
.LBB2_3:
0xb3: {  	p0 =	sne.s32 s31, $0x2E000;
	[sflag:s25] =	ssyncset.done $0x0;
	s28 =	sadd.s32 $0x10, s28  }
0xb4: {  	s0 =	smov.u32 s31;
	s31 =	sadd.s32 $0x2000, s31;
	[sflag:s25] =	ssyncadd.s32 $0xFFFFFF80  }
0xb5: {  	_ =	swait.ge [sflag:s25], $0x80  }
0xb6: {  	[sflag:s25] =	ssyncset.done $0x0  }
0xb7: {  	[sflag:s25] =	ssyncadd.s32 $0xFFFFFF80  }
0xb8: {  	_ =	swait.ge [sflag:s25], $0x80  }
0xb9: {  	[sflag:s25] =	ssyncset.done $0x0  }
0xba: {  	[sflag:s25] =	ssyncadd.s32 $0xFFFFFF80  }
0xbb: {  	v0 =	vld [tilespmem:s28+$0x0];
	_ =	sdelay $0x4  }
0xbc: {  	v0 =	vshll.u32 v0, $0x4  }
0xbd: {  	(v2sf) =	vpush v0, $0x0  }
0xbe: {  	(v2sf) =	vpush v0, $0x1  }
0xbf: {  	(v2sf) =	vpush v0, $0x2;
	_ =	sdelay $0x1  }
0xc0: {  	(v2sf) =	vpush v0, $0x3;
	_ =	sdelay $0x1  }
0xc1: {  	(v2sf) =	vpush v0, $0x4;
	_ =	sdelay $0x1  }
0xc2: {  	(v2sf) =	vpush v0, $0x5  }
0xc3: {  	s0 =	sshra.s32 s0, $0x2  }
0xc4: {  	s14 =	sadd.s32 $0xF00, s0;
	s15 =	sadd.s32 $0x1000, s0;
	s16 =	sadd.s32 $0x1080, s0;
	(v2sf) =	vpush v0, $0x6  }
0xc5: {  	s17 =	sadd.s32 $0xE80, s0;
	s18 =	sadd.s32 $0xF80, s0  }
0xc6: {  	s19 =	sadd.s32 $0x1100, s0;
	(v2sf) =	vpush v0, $0x7  }
0xc7: {  	s26 =	sadd.s32 $0x1480, s0;
	s7 =	sadd.s32 $0x1500, s0;
	s6 =	sadd.s32 $0x1600, s0  }
0xc8: {  	s20 =	sadd.s32 $0x1180, s0;
	s11 =	sadd.s32 $0x1380, s0;
	s10 =	sadd.s32 $0x1400, s0;
	(v2sf) =	vpush v0, $0x8  }
0xc9: {  	s13 =	sadd.s32 $0x1280, s0;
	s12 =	sadd.s32 $0x1300, s0;
	s21 =	spop (v2sf)  }
0xca: {  	s22 =	sadd.s32 $0x1200, s0;
	s21 =	sand.u32 $0x1FFFFFF0, s21;
	s23 =	spop (v2sf);
	(v2sf) =	vpush v0, $0x9  }
0xcb: {  	s21 =	sadd.s32 s4, s21;
	s23 =	sand.u32 $0x1FFFFFF0, s23;
	s24 =	spop (v2sf)  }
0xcc: {  	[tilespmem:s17], [sflag:$0x2] =	stream.linear.gather [hbm4b:s21+s2], $0x80, $0x38;
	(v2sf) =	vpush v0, $0xA;
	[tilespmem:$0xCE80] =	vst v63  }
0xcd: {  	s17 =	sadd.s32 s4, s23;
	s21 =	sand.u32 $0x1FFFFFF0, s24;
	s23 =	spop (v2sf)  }
0xce: {  	[tilespmem:s14], [sflag:$0x2] =	stream.linear.gather [hbm4b:s17+s2], $0x80, $0x38;
	(v2sf) =	vpush v0, $0xB;
	[tilespmem:$0xCE80] =	vst v63  }
0xcf: {  	s14 =	sadd.s32 s4, s21;
	s17 =	sand.u32 $0x1FFFFFF0, s23;
	s21 =	spop (v2sf)  }
0xd0: {  	[tilespmem:s18], [sflag:$0x2] =	stream.linear.gather [hbm4b:s14+s2], $0x80, $0x38;
	(v2sf) =	vpush v0, $0xC;
	[tilespmem:$0xCE80] =	vst v63  }
0xd1: {  	s14 =	sadd.s32 s4, s17;
	s17 =	sand.u32 $0x1FFFFFF0, s21;
	s18 =	spop (v2sf)  }
0xd2: {  	[tilespmem:s15], [sflag:$0x2] =	stream.linear.gather [hbm4b:s14+s2], $0x80, $0x38;
	(v2sf) =	vpush v0, $0xD;
	[tilespmem:$0xCE80] =	vst v63  }
0xd3: {  	s14 =	sadd.s32 s4, s17;
	s15 =	sand.u32 $0x1FFFFFF0, s18;
	s17 =	spop (v2sf)  }
0xd4: {  	[tilespmem:s16], [sflag:$0x2] =	stream.linear.gather [hbm4b:s14+s2], $0x80, $0x38;
	(v2sf) =	vpush v0, $0xE;
	[tilespmem:$0xCE80] =	vst v63  }
0xd5: {  	s14 =	sadd.s32 s4, s15;
	s15 =	sand.u32 $0x1FFFFFF0, s17;
	s16 =	spop (v2sf)  }
0xd6: {  	[tilespmem:s19], [sflag:$0x2] =	stream.linear.gather [hbm4b:s14+s2], $0x80, $0x38;
	(v2sf) =	vpush v0, $0xF;
	[tilespmem:$0xCE80] =	vst v63  }
0xd7: {  	s14 =	sadd.s32 s4, s15;
	s15 =	sand.u32 $0x1FFFFFF0, s16;
	s16 =	spop (v2sf)  }
0xd8: {  	[tilespmem:s20], [sflag:$0x2] =	stream.linear.gather [hbm4b:s14+s2], $0x80, $0x38;
	[tilespmem:$0xCE80] =	vst v63  }
0xd9: {  	s14 =	sadd.s32 s4, s15;
	s15 =	sand.u32 $0x1FFFFFF0, s16;
	s16 =	spop (v2sf)  }
0xda: {  	[tilespmem:s22], [sflag:$0x2] =	stream.linear.gather [hbm4b:s14+s2], $0x80, $0x38;
	[tilespmem:$0xCE80] =	vst v63  }
0xdb: {  	s14 =	sadd.s32 s4, s15;
	s15 =	sand.u32 $0x1FFFFFF0, s16;
	s16 =	spop (v2sf)  }
0xdc: {  	[tilespmem:s13], [sflag:$0x2] =	stream.linear.gather [hbm4b:s14+s2], $0x80, $0x38;
	[tilespmem:$0xCE80] =	vst v63  }
0xdd: {  	s13 =	sadd.s32 s4, s15;
	s14 =	sand.u32 $0x1FFFFFF0, s16;
	s15 =	spop (v2sf)  }
0xde: {  	[tilespmem:s12], [sflag:$0x2] =	stream.linear.gather [hbm4b:s13+s2], $0x80, $0x38;
	[tilespmem:$0xCE80] =	vst v63  }
0xdf: {  	s12 =	sadd.s32 s4, s14;
	s13 =	sand.u32 $0x1FFFFFF0, s15;
	s14 =	spop (v2sf)  }
0xe0: {  	[tilespmem:s11], [sflag:$0x2] =	stream.linear.gather [hbm4b:s12+s2], $0x80, $0x38;
	[tilespmem:$0xCE80] =	vst v63  }
0xe1: {  	s11 =	sadd.s32 s4, s13;
	s12 =	sand.u32 $0x1FFFFFF0, s14;
	s13 =	spop (v2sf)  }
0xe2: {  	[tilespmem:s10], [sflag:$0x2] =	stream.linear.gather [hbm4b:s11+s2], $0x80, $0x38;
	[tilespmem:$0xCE80] =	vst v63  }
0xe3: {  	s10 =	sadd.s32 s4, s12;
	s11 =	sand.u32 $0x1FFFFFF0, s13;
	s12 =	spop (v2sf)  }
0xe4: {  	[tilespmem:s26], [sflag:$0x2] =	stream.linear.gather [hbm4b:s10+s2], $0x80, $0x38;
	[tilespmem:$0xCE80] =	vst v63  }
0xe5: {  	s10 =	sadd.s32 s4, s11;
	s11 =	sand.u32 $0x1FFFFFF0, s12;
	s12 =	spop (v2sf)  }
0xe6: {  	[tilespmem:s7], [sflag:$0x2] =	stream.linear.gather [hbm4b:s10+s2], $0x80, $0x38;
	[tilespmem:$0xCE80] =	vst v63  }
0xe7: {  	s0 =	sadd.s32 $0x1580, s0;
	s7 =	sadd.s32 s4, s11;
	s10 =	sand.u32 $0x1FFFFFF0, s12  }
0xe8: {  	[tilespmem:s0], [sflag:$0x2] =	stream.linear.gather [hbm4b:s7+s2], $0x80, $0x38;
	[tilespmem:$0xCE80] =	vst v63  }
0xe9: {  	s0 =	sadd.s32 s4, s10  }
0xea: {  	[tilespmem:s6], [sflag:$0x2] =	stream.linear.gather [hbm4b:s0+s2], $0x80, $0x38;
	[tilespmem:$0xCE80] =	vst v63  }
0xeb: {  	_ =	swait.ge [sflag:s25], $0x80  }
0xec: {  	[sflag:s25] =	ssyncset.done $0x0  }
0xed: {  	[sflag:s25] =	ssyncadd.s32 $0xFFFFFF80  }
0xee: {  	_ =	swait.ge [sflag:s25], $0x80  }
0xef: {  	[sflag:s25] =	ssyncset.done $0x0  }
0xf0: {  	[sflag:s25] =	ssyncadd.s32 $0xFFFFFF80  }
0xf1: {  	_ =	swait.ge [sflag:s25], $0x80  }
0xf2: {  	[sflag:s25] =	ssyncset.done $0x0  }
0xf3: {  	[sflag:s25] =	ssyncadd.s32 $0xFFFFFF80  }
0xf4: {  	_ =	swait.ge [sflag:s25], $0x80  }
0xf5: {  	[sflag:s25] =	ssyncset.done $0x0  }
0xf6: {  	[sflag:s25] =	ssyncadd.s32 $0xFFFFFF80  }
0xf7: {  	_ =	swait.ge [sflag:s25], $0x80  }
0xf8: {  	[sflag:s25] =	ssyncset.done $0x0  }
0xf9: {  	[sflag:s25] =	ssyncadd.s32 $0xFFFFFF80  }
0xfa: {  	_ =	swait.ge [sflag:s25], $0x80  }
0xfb: {  	[sflag:s25] =	ssyncset.done $0x0  }
0xfc: {  	[sflag:s25] =	ssyncadd.s32 $0xFFFFFF80  }
0xfd: {  	_ =	swait.ge [sflag:s25], $0x80  }
0xfe: {  	[sflag:s25] =	ssyncset.done $0x0  }
0xff: {  	[sflag:s25] =	ssyncadd.s32 $0xFFFFFF80  }
0x100: {  	_ =	swait.ge [sflag:s25], $0x80  }
0x101: {  	[sflag:s25] =	ssyncset.done $0x0  }
0x102: {  	[sflag:s25] =	ssyncadd.s32 $0xFFFFFF80  }
0x103: {  	_ =	swait.ge [sflag:s25], $0x80  }
0x104: {  	[sflag:s25] =	ssyncset.done $0x0  }
0x105: {  	[sflag:s25] =	ssyncadd.s32 $0xFFFFFF80  }
0x106: {  	_ =	swait.ge [sflag:s25], $0x80  }
0x107: {  	[sflag:s25] =	ssyncset.done $0x0  }
0x108: {  	[sflag:s25] =	ssyncadd.s32 $0xFFFFFF80  }
0x109: {  	_ =	swait.ge [sflag:s25], $0x80  }
0x10a: {  	[sflag:s25] =	ssyncset.done $0x0  }
0x10b: {  	[sflag:s25] =	ssyncadd.s32 $0xFFFFFF80  }
0x10c: {  	_ =	swait.ge [sflag:s25], $0x80  }
0x10d: {  	[sflag:s25] =	ssyncset.done $0x0  }
.Ltmp0:
0x10e: {  	[sflag:s25] =	ssyncadd.s32 $0xFFFFFF80;
	(pc) =	sbr.rel @p0 .LBB2_3-.Ltmp0, $4  }
0x10f: {  	_ =	swait.ge [sflag:s25], $0x80  }
0x110: {  	[sflag:s25] =	ssyncset.done $0x0  }
0x111: {  	[sflag:s25] =	ssyncadd.s32 $0xFFFFFF80  }
0x112: {  	_ =	swait.ge [sflag:s25], $0x80  }
0x113: {  	[sflag:s25] =	ssyncset.done $0x0  }
0x114: {  	[sflag:s25] =	ssyncadd.s32 $0xFFFFFF80  }
0x115: {  	_ =	swait.ge [sflag:s25], $0x80  }
0x116: {  	[sflag:s25] =	ssyncset.done $0x0  }
0x117: {  	[sflag:s25] =	ssyncadd.s32 $0xFFFFFF80  }
0x118: {  	_ =	swait.ge [sflag:s25], $0x80  }
0x119: {  	[sflag:s25] =	ssyncset.done $0x0  }
0x11a: {  	[sflag:s25] =	ssyncadd.s32 $0xFFFFFF80  }
0x11b: {  	_ =	swait.ge [sflag:s25], $0x80  }
0x11c: {  	[sflag:s25] =	ssyncset.done $0x0  }
0x11d: {  	[sflag:s25] =	ssyncadd.s32 $0xFFFFFF80  }
0x11e: {  	_ =	swait.ge [sflag:s25], $0x80  }
0x11f: {  	[sflag:s25] =	ssyncset.done $0x0  }
0x120: {  	[sflag:s25] =	ssyncadd.s32 $0xFFFFFF80  }
0x121: {  	_ =	swait.ge [sflag:s25], $0x80  }
0x122: {  	[sflag:s25] =	ssyncset.done $0x0  }
0x123: {  	[sflag:s25] =	ssyncadd.s32 $0xFFFFFF80  }
0x124: {  	_ =	swait.ge [sflag:s25], $0x80  }
0x125: {  	[sflag:s25] =	ssyncset.done $0x0  }
0x126: {  	[sflag:s25] =	ssyncadd.s32 $0xFFFFFF80  }
0x127: {  	_ =	swait.ge [sflag:s25], $0x80  }
0x128: {  	[sflag:s25] =	ssyncset.done $0x0  }
0x129: {  	[sflag:s25] =	ssyncadd.s32 $0xFFFFFF80  }
0x12a: {  	_ =	swait.ge [sflag:s25], $0x80  }
0x12b: {  	[sflag:s25] =	ssyncset.done $0x0  }
0x12c: {  	[sflag:s25] =	ssyncadd.s32 $0xFFFFFF80  }
0x12d: {  	_ =	swait.ge [sflag:s25], $0x80  }
0x12e: {  	[sflag:s25] =	ssyncset.done $0x0  }
0x12f: {  	[sflag:s25] =	ssyncadd.s32 $0xFFFFFF80  }
0x130: {  	_ =	swait.ge [sflag:s25], $0x80  }
0x131: {  	[sflag:s25] =	ssyncset.done $0x0  }
0x132: {  	[sflag:s25] =	ssyncadd.s32 $0xFFFFFF80  }
0x133: {  	_ =	swait.ge [sflag:s25], $0x80  }
0x134: {  	[sflag:s25] =	ssyncset.done $0x0  }
0x135: {  	[sflag:s25] =	ssyncadd.s32 $0xFFFFFF80  }
0x136: {  	_ =	swait.ge [sflag:s25], $0x80  }
0x137: {  	[sflag:s25] =	ssyncset.done $0x0  }
0x138: {  	[sflag:s25] =	ssyncadd.s32 $0xFFFFFF80  }
0x139: {  	_ =	swait.ge [sflag:s25], $0x80  }
0x13a: {  	[sflag:s25] =	ssyncset.done $0x0  }
0x13b: {  	[sflag:s25] =	ssyncadd.s32 $0xFFFFFF80  }
0x13c: {  	_ =	swait.ge [sflag:s25], $0x80  }
0x13d: {  	[sflag:s25] =	ssyncset.done $0x0  }
0x13e: {  	[sflag:s25] =	ssyncadd.s32 $0xFFFFFF80  }
0x13f: {  	_ =	swait.ge [sflag:s25], $0x80  }
0x140: {  	[sflag:s25] =	ssyncset.done $0x0  }
0x141: {  	[sflag:s25] =	ssyncadd.s32 $0xFFFFFF80  }
0x142: {  	_ =	swait.ge [sflag:s25], $0x80  }
0x143: {  	[sflag:s25] =	ssyncset.done $0x0  }
0x144: {  	[sflag:s25] =	ssyncadd.s32 $0xFFFFFF80  }
0x145: {  	_ =	swait.ge [sflag:s25], $0x80  }
0x146: {  	[sflag:s25] =	ssyncset.done $0x0  }
0x147: {  	[sflag:s25] =	ssyncadd.s32 $0xFFFFFF80  }
0x148: {  	s0 =	sadd.s32 s3, s30;
	s29 =	sadd.s32 $0x1, s29;
	_ =	swait.ge [sflag:s25], $0x80  }
0x149: {  	s0 =	sshll.u32 s0, $0x4;
	p0 =	sne.s32 s29, $0x4;
	[sflag:s25] =	ssyncset.done $0x0  }
.Ltmp1:
0x14a: {  	s0 =	sadd.s32 s5, s0;
	[sflag:s25] =	ssyncadd.s32 $0xFFFFFF80;
	(pc) =	sbr.rel @p0 .LBB2_2-.Ltmp1, $4  }
0x14b: {  	[hbm4b:s0+s2] =	stream.linear.scatter [tilespmem:s9], [sflag:$0x1], $0xC800, $0x38;
	[tilespmem:$0xCE80] =	vst v63  }
0x14c: {  	_ =	swait.ge [sflag:s8], $0xC800  }
0x14d: {  	[sflag:s8] =	ssyncset.done $0x0  }
0x14e: {  	s1 =	sadd.s32 $0x190, s1;
	[sflag:s8] =	ssyncadd.s32 $0xFFFF3800  }
0x14f: {  	s1 =	rddreg [dreg:$0x4]  }
0x150: {  	s0 =	rddreg [dreg:$0x3];
	s1 =	sadd.s32 $0x1, s1  }
0x151: {  	p0 =	sne.s32 s1, s0  }
.Ltmp2:
0x152: {  	_ = 	snop;
	(pc) =	sbr.rel @p0 .LBB2_1-.Ltmp2, $1  }
0x153: {  	_ =	sdelay $0x3  }
0x154: {  	_ =	sfence.sel $0x180000  }
0x155: {  	[bflag:$0x0] =	sbarrier.arrive $0xFFFF  }
0x156: {  	_ =	strace $0x90000047  }
0x157: {  	s0 =	stileid.u32;
	[bflag:$0x2] =	sbarrier.arrive $0xFFFF  }
0x158: {  	p0 =	sne.s32 s0, $0x0;
	s0 =	rddreg [dreg:$0x1]  }
0x159: {  	s0 =	sadd.s32 @!p0 $0x100000, s0  }
0x15a: {  	[sflag:s0] =	ssyncadd.tile.s32 @!p0 $0x1;
	_ =	shalt  }
.Lfunc_end2:
_tile_overlayer_lowered:
.L_overlay_start_2:
0x15b: {  	(tag) =	ssettag $0x2  }
0x15c: {  	s0 =	rddreg [dreg:$0x0];
	s2 =	stileid.u32  }
0x15d: {  	s1 =	rddreg [dreg:$0x1];
	p0 =	sne.s32 s2, $0x0  }
0x15e: {  	s3 =	rddreg [dreg:$0x2];
	[bflag:$0x3] =	sbarrier.arrive $0xFFFF;
	s2 =	simm.s32 @!p0 $0x1C03  }
0x15f: {  	[timem:s3], [sflag:s2] =	dma.local @!p0 [hbm:s0], s1  }
0x160: {  	s0 =	simm.s32 @!p0 $0x3  }
0x161: {  	_ =	swait.ge @!p0 [sflag:s0], s1  }
0x162: {  	s1 =	ssub.s32 @!p0 $0x0, s1;
	[sflag:s0] =	ssyncset.done @!p0 $0x0  }
0x163: {  	[sflag:s0] =	ssyncadd.s32 @!p0 s1  }
0x164: {  	[bflag:$0x3] =	sbarrier.arrive $0xFFFF  }
0x165: {  	_ =	shalt  }

</sc_bundles>
